<compile_context>
chip_gen: v7x
topology: tpu7x:2x2x1
jax: 0.10.2.dev20260603
libtpu: 0.0.44.dev20260713+nightly
codegen_flags: <defaults>
</compile_context>

<pallas_src>
import functools

import numpy as np
import jax
import jax.numpy as jnp
from jax import lax
from jax.experimental import pallas as pl
from jax.experimental.pallas import tpu as pltpu
from jax.experimental.pallas import tpu_sc as plsc

_B = 4
_S = 1024
_N = 4096
_NW = 32
_WPB = _NW // _B
_RPW = _S // _WPB
_RBLK = 2
_NBUF = 4
_NBLK = _RPW // _RBLK


def _transpose_perm(n, k, d):
    perm = np.arange(n)
    p = (k - 1) * d
    for i in range((n - p) // (p + 1) - 1, 0, -1):
        perm[p + i], perm[p + (p + 1) * i] = perm[p + (p + 1) * i], perm[p + i]
    return perm


_TMAX = (_N - 4) // 5 - 1


def _build_idx(idx_v):
    iota = lax.iota(jnp.int32, 16)

    def ident(c, carry):
        idx_v[pl.ds(16 * c, 16)] = iota + 16 * c
        return carry

    lax.fori_loop(0, _N // 16, ident, 0)

    for k in range(1, 6):
        lo_k, hi_k = _TMAX // 5**k + 1, _TMAX // 5**(k - 1)
        if k == 1:
            continue
        for c in range((hi_k - lo_k) // 16 + 1):
            t = lo_k + 16 * c + iota
            plsc.store_scatter(idx_v, [4 + t], 4 + t * 5**k, mask=t <= hi_k)

    def fam1(c, carry):
        t = (_TMAX // 5 + 1) + 16 * c + iota
        plsc.store_scatter(idx_v, [4 + t], 4 + t * 5, mask=t <= _TMAX)
        return carry

    lax.fori_loop(0, (_TMAX - _TMAX // 5) // 16 + 1, fam1, 0)

    def fam_a(c, carry):
        i = 1 + 16 * c + iota
        plsc.store_scatter(idx_v, [4 + 5 * i], 4 + i, mask=i <= _TMAX)
        return carry

    lax.fori_loop(0, _TMAX // 16 + 1, fam_a, 0)


def _body(x_hbm, out_hbm, idx_v, ins, outs, sins, souts):
    wid = lax.axis_index("s") * 2 + lax.axis_index("c")
    batch = wid // _WPB
    row0 = (wid % _WPB) * _RPW

    def in_copy(blk, b):
        return pltpu.make_async_copy(
            x_hbm.at[batch, pl.ds(row0 + blk * _RBLK, _RBLK), :], ins[b], sins[b]
        )

    def out_copy(blk, b):
        return pltpu.make_async_copy(
            outs[b], out_hbm.at[batch, pl.ds(row0 + blk * _RBLK, _RBLK), :],
            souts[b],
        )

    def gather_block(b):
        @plsc.parallel_loop(0, _N // 16, unroll=2)
        def _(j):
            o = j * 16
            idx = idx_v[pl.ds(o, 16)]
            for r in range(_RBLK):
                rsplat = jnp.full((16,), r, jnp.int32)
                val = plsc.load_gather(ins[b], [rsplat, idx])
                outs[b][r, pl.ds(o, 16)] = val

    for b in range(_NBUF):
        in_copy(b, b).start()

    _build_idx(idx_v)

    def gbody(g, carry):
        for b in range(_NBUF):
            blk = _NBUF * g + b
            in_copy(blk, b).wait()

            @pl.when(blk >= _NBUF)
            def _():
                out_copy(blk - _NBUF, b).wait()

            gather_block(b)
            out_copy(blk, b).start()

            @pl.when(blk + _NBUF < _NBLK)
            def _():
                in_copy(blk + _NBUF, b).start()

        return carry

    lax.fori_loop(0, _NBLK // _NBUF, gbody, 0)
    for b in range(_NBUF):
        out_copy(_NBLK - _NBUF + b, b).wait()


def kernel(x):
    mesh = plsc.VectorSubcoreMesh(core_axis_name="c", subcore_axis_name="s")

    def body(x_hbm, out_hbm, idx_v, *bufs):
        ins = bufs[:_NBUF]
        outs = bufs[_NBUF:2 * _NBUF]
        sins = bufs[2 * _NBUF:3 * _NBUF]
        souts = bufs[3 * _NBUF:]
        _body(x_hbm, out_hbm, idx_v, ins, outs, sins, souts)

    k = functools.partial(
        pl.kernel,
        mesh=mesh,
        out_type=jax.ShapeDtypeStruct((_B, _S, _N), jnp.float32),
        scratch_types=(
            [pltpu.VMEM((_N,), jnp.int32)]
            + [pltpu.VMEM((_RBLK, _N), jnp.float32)] * (2 * _NBUF)
            + [pltpu.SemaphoreType.DMA] * (2 * _NBUF)
        ),
        compiler_params=pltpu.CompilerParams(needs_layout_passes=False),
    )(body)
    return k(x)

# --- scband reference (transcript-rebuilt; emitter-appended) ---
"""Pipeline reference for scband-transpose-perm-31198642438182 (READ-ONLY COPY).

The authoritative reference and input builder live on the scoring server;
editing this copy changes nothing except your own understanding.
"""

import jax, jax.numpy as jnp
import numpy as np

KERNEL_SIZE = 3
DILATION = 2


def transpose_permutation(n, k, d):
    """computes single-dimensional permutation for transposed convolutions (numpy port)."""
    perm = np.arange(n)
    p = (k - 1) * d
    for i in range((n - p) // (p + 1) - 1, 0, -1):
        perm[p + i], perm[p + (p + 1) * i] = perm[p + (p + 1) * i], perm[p + i]
    return perm


def setup_inputs(seed: int = 0) -> dict:
    key = jax.random.key(seed)
    x = jax.random.normal(key, (4, 1024, 4096), dtype=jnp.float32)
    return {"x": x}


def reference(x):
    n = x.shape[-1]
    perm = jnp.asarray(transpose_permutation(n, KERNEL_SIZE, DILATION))
    return jnp.take(x, perm, axis=-1)

if __name__ == "__main__":
    import jax
    _d = setup_inputs()
    print(jax.jit(kernel)(*tuple(_d.values())))

</pallas_src>

<mosaic_0001>
#map = affine_map<(d0, d1) -> (0, 0, 0)>
module attributes {stable_mosaic.version = 14 : i64} {
  func.func @body(%arg0: i32, %arg1: i32, %arg2: memref<4x1024x4096xf32, #tpu.memory_space<hbm>>, %arg3: memref<4x1024x4096xf32, #tpu.memory_space<hbm>>, %arg4: memref<4096xi32, #tpu.memory_space<vmem>>, %arg5: memref<2x4096xf32, #tpu.memory_space<vmem>>, %arg6: memref<2x4096xf32, #tpu.memory_space<vmem>>, %arg7: memref<2x4096xf32, #tpu.memory_space<vmem>>, %arg8: memref<2x4096xf32, #tpu.memory_space<vmem>>, %arg9: memref<2x4096xf32, #tpu.memory_space<vmem>>, %arg10: memref<2x4096xf32, #tpu.memory_space<vmem>>, %arg11: memref<2x4096xf32, #tpu.memory_space<vmem>>, %arg12: memref<2x4096xf32, #tpu.memory_space<vmem>>, %arg13: memref<!tpu.dma_semaphore, #tpu.memory_space<semaphore_mem>>, %arg14: memref<!tpu.dma_semaphore, #tpu.memory_space<semaphore_mem>>, %arg15: memref<!tpu.dma_semaphore, #tpu.memory_space<semaphore_mem>>, %arg16: memref<!tpu.dma_semaphore, #tpu.memory_space<semaphore_mem>>, %arg17: memref<!tpu.dma_semaphore, #tpu.memory_space<semaphore_mem>>, %arg18: memref<!tpu.dma_semaphore, #tpu.memory_space<semaphore_mem>>, %arg19: memref<!tpu.dma_semaphore, #tpu.memory_space<semaphore_mem>>, %arg20: memref<!tpu.dma_semaphore, #tpu.memory_space<semaphore_mem>>) attributes {dimension_semantics = [#tpu.dimension_semantics<core_parallel>, #tpu.dimension_semantics<subcore_parallel>], iteration_bounds = array<i64: 2, 16>, scalar_prefetch = 0 : i64, scratch_operands = 17 : i64, tpu.core_type = #tpu.core_type<sc_vector_subcore>, window_params = [{transform_indices = #map}, {transform_indices = #map}]} {
    %mul3A = arith.constant 2 : i32
    %mul3A_0 = arith.muli %arg1, %mul3A : i32
    %add3A = arith.addi %mul3A_0, %arg0 : i32
    %jit3A = arith.constant 8 : i32
    %div3A = arith.divsi %add3A, %jit3A : i32
    %sign3A = arith.constant 0 : i32
    %sign3A_1 = arith.cmpi sgt, %add3A, %sign3A : i32
    %sign3A_2 = arith.extui %sign3A_1 : i1 to i32
    %sign3A_3 = arith.constant 0 : i32
    %sign3A_4 = arith.cmpi slt, %add3A, %sign3A_3 : i32
    %sign3A_5 = arith.extui %sign3A_4 : i1 to i32
    %sign3A_6 = arith.subi %sign3A_2, %sign3A_5 : i32
    %sign3A_7 = arith.constant 0 : i32
    %sign3A_8 = arith.cmpi sgt, %jit3A, %sign3A_7 : i32
    %sign3A_9 = arith.extui %sign3A_8 : i1 to i32
    %sign3A_10 = arith.constant 0 : i32
    %sign3A_11 = arith.cmpi slt, %jit3A, %sign3A_10 : i32
    %sign3A_12 = arith.extui %sign3A_11 : i1 to i32
    %sign3A_13 = arith.subi %sign3A_9, %sign3A_12 : i32
    %ne3A = arith.cmpi ne, %sign3A_6, %sign3A_13 : i32
    %rem3A = arith.remsi %add3A, %jit3A : i32
    %ne3A_14 = arith.constant 0 : i32
    %ne3A_15 = arith.cmpi ne, %rem3A, %ne3A_14 : i32
    %and3A = arith.andi %ne3A, %ne3A_15 : i1
    %sub3A = arith.constant 1 : i32
    %sub3A_16 = arith.subi %div3A, %sub3A : i32
    %select_n3A = arith.select %and3A, %sub3A_16, %div3A : i32
    %jit3A_17 = arith.constant 8 : i32
    %eq3A = arith.constant 0 : i32
    %eq3A_18 = arith.cmpi eq, %jit3A_17, %eq3A : i32
    %jit3A_19 = arith.constant 1 : i32
    %select_n3A_20 = arith.select %eq3A_18, %jit3A_19, %jit3A_17 : i32
    %rem3A_21 = arith.remsi %add3A, %select_n3A_20 : i32
    %ne3A_22 = arith.constant 0 : i32
    %ne3A_23 = arith.cmpi ne, %rem3A_21, %ne3A_22 : i32
    %lt3A = arith.constant 0 : i32
    %lt3A_24 = arith.cmpi slt, %rem3A_21, %lt3A : i32
    %lt3A_25 = arith.constant 0 : i32
    %lt3A_26 = arith.cmpi slt, %select_n3A_20, %lt3A_25 : i32
    %ne3A_27 = arith.xori %lt3A_24, %lt3A_26 : i1
    %and3A_28 = arith.andi %ne3A_27, %ne3A_23 : i1
    %add3A_29 = arith.addi %rem3A_21, %select_n3A_20 : i32
    %select_n3A_30 = arith.select %and3A_28, %add3A_29, %rem3A_21 : i32
    %mul3A_31 = arith.constant 128 : i32
    %mul3A_32 = arith.muli %select_n3A_30, %mul3A_31 : i32
    %add3A_33 = arith.constant 0 : i32
    %add3A_34 = arith.addi %mul3A_32, %add3A_33 : i32
    %dma_start3A = arith.constant 0 : i32
    %dma_start3A_35 = tpu.memref_slice %arg2[%select_n3A, %add3A_34, %dma_start3A] : memref<4x1024x4096xf32, #tpu.memory_space<hbm>> -> memref<1x2x4096xf32, #tpu.memory_space<hbm>>
    %dma_start3A_36 = tpu.memref_squeeze %dma_start3A_35 : memref<1x2x4096xf32, #tpu.memory_space<hbm>> -> memref<2x4096xf32, #tpu.memory_space<hbm>>
    %dma_start3A_37 = arith.constant 0 : i32
    %dma_start3A_38 = tpu.memref_slice %arg2[%select_n3A, %add3A_34, %dma_start3A_37] : memref<4x1024x4096xf32, #tpu.memory_space<hbm>> -> memref<1x2x4096xf32, #tpu.memory_space<hbm>>
    %dma_start3A_39 = tpu.memref_squeeze %dma_start3A_38 : memref<1x2x4096xf32, #tpu.memory_space<hbm>> -> memref<2x4096xf32, #tpu.memory_space<hbm>>
    tpu.enqueue_dma source(%dma_start3A_39 : memref<2x4096xf32, #tpu.memory_space<hbm>>) target(%arg5 : memref<2x4096xf32, #tpu.memory_space<vmem>>) target_semaphore(%arg13 : memref<!tpu.dma_semaphore, #tpu.memory_space<semaphore_mem>>)
    %add3A_40 = arith.constant 2 : i32
    %add3A_41 = arith.addi %mul3A_32, %add3A_40 : i32
    %dma_start3A_42 = arith.constant 0 : i32
    %dma_start3A_43 = tpu.memref_slice %arg2[%select_n3A, %add3A_41, %dma_start3A_42] : memref<4x1024x4096xf32, #tpu.memory_space<hbm>> -> memref<1x2x4096xf32, #tpu.memory_space<hbm>>
    %dma_start3A_44 = tpu.memref_squeeze %dma_start3A_43 : memref<1x2x4096xf32, #tpu.memory_space<hbm>> -> memref<2x4096xf32, #tpu.memory_space<hbm>>
    %dma_start3A_45 = arith.constant 0 : i32
    %dma_start3A_46 = tpu.memref_slice %arg2[%select_n3A, %add3A_41, %dma_start3A_45] : memref<4x1024x4096xf32, #tpu.memory_space<hbm>> -> memref<1x2x4096xf32, #tpu.memory_space<hbm>>
    %dma_start3A_47 = tpu.memref_squeeze %dma_start3A_46 : memref<1x2x4096xf32, #tpu.memory_space<hbm>> -> memref<2x4096xf32, #tpu.memory_space<hbm>>
    tpu.enqueue_dma source(%dma_start3A_47 : memref<2x4096xf32, #tpu.memory_space<hbm>>) target(%arg6 : memref<2x4096xf32, #tpu.memory_space<vmem>>) target_semaphore(%arg14 : memref<!tpu.dma_semaphore, #tpu.memory_space<semaphore_mem>>)
    %add3A_48 = arith.constant 4 : i32
    %add3A_49 = arith.addi %mul3A_32, %add3A_48 : i32
    %dma_start3A_50 = arith.constant 0 : i32
    %dma_start3A_51 = tpu.memref_slice %arg2[%select_n3A, %add3A_49, %dma_start3A_50] : memref<4x1024x4096xf32, #tpu.memory_space<hbm>> -> memref<1x2x4096xf32, #tpu.memory_space<hbm>>
    %dma_start3A_52 = tpu.memref_squeeze %dma_start3A_51 : memref<1x2x4096xf32, #tpu.memory_space<hbm>> -> memref<2x4096xf32, #tpu.memory_space<hbm>>
    %dma_start3A_53 = arith.constant 0 : i32
    %dma_start3A_54 = tpu.memref_slice %arg2[%select_n3A, %add3A_49, %dma_start3A_53] : memref<4x1024x4096xf32, #tpu.memory_space<hbm>> -> memref<1x2x4096xf32, #tpu.memory_space<hbm>>
    %dma_start3A_55 = tpu.memref_squeeze %dma_start3A_54 : memref<1x2x4096xf32, #tpu.memory_space<hbm>> -> memref<2x4096xf32, #tpu.memory_space<hbm>>
    tpu.enqueue_dma source(%dma_start3A_55 : memref<2x4096xf32, #tpu.memory_space<hbm>>) target(%arg7 : memref<2x4096xf32, #tpu.memory_space<vmem>>) target_semaphore(%arg15 : memref<!tpu.dma_semaphore, #tpu.memory_space<semaphore_mem>>)
    %add3A_56 = arith.constant 6 : i32
    %add3A_57 = arith.addi %mul3A_32, %add3A_56 : i32
    %dma_start3A_58 = arith.constant 0 : i32
    %dma_start3A_59 = tpu.memref_slice %arg2[%select_n3A, %add3A_57, %dma_start3A_58] : memref<4x1024x4096xf32, #tpu.memory_space<hbm>> -> memref<1x2x4096xf32, #tpu.memory_space<hbm>>
    %dma_start3A_60 = tpu.memref_squeeze %dma_start3A_59 : memref<1x2x4096xf32, #tpu.memory_space<hbm>> -> memref<2x4096xf32, #tpu.memory_space<hbm>>
    %dma_start3A_61 = arith.constant 0 : i32
    %dma_start3A_62 = tpu.memref_slice %arg2[%select_n3A, %add3A_57, %dma_start3A_61] : memref<4x1024x4096xf32, #tpu.memory_space<hbm>> -> memref<1x2x4096xf32, #tpu.memory_space<hbm>>
    %dma_start3A_63 = tpu.memref_squeeze %dma_start3A_62 : memref<1x2x4096xf32, #tpu.memory_space<hbm>> -> memref<2x4096xf32, #tpu.memory_space<hbm>>
    tpu.enqueue_dma source(%dma_start3A_63 : memref<2x4096xf32, #tpu.memory_space<hbm>>) target(%arg8 : memref<2x4096xf32, #tpu.memory_space<vmem>>) target_semaphore(%arg16 : memref<!tpu.dma_semaphore, #tpu.memory_space<semaphore_mem>>)
    %iota3A = tpu.iota {dimensions = array<i32: 0>} : vector<16xi32>
    %scan3A = arith.constant 0 : i32
    %scan3A_64 = arith.constant 0 : i32
    %scan3A_65 = arith.constant 256 : i32
    %scan3A_66 = arith.addi %scan3A_64, %scan3A_65 : i32
    %scan3A_67 = arith.constant 1 : i32
    scf.for %scan3A_312 = %scan3A_64 to %scan3A_66 step %scan3A_67  : i32 {
      %mul3A_313 = arith.constant 16 : i32
      %mul3A_314 = arith.muli %mul3A_313, %scan3A_312 : i32
      %add3A_315 = vector.broadcast %mul3A_314 : i32 to vector<16xi32>
      %add3A_316 = arith.addi %iota3A, %add3A_315 : vector<16xi32>
      %mul3A_317 = arith.constant 16 : i32
      %mul3A_318 = arith.muli %mul3A_317, %scan3A_312 : i32
      %swap3A = arith.index_cast %mul3A_318 : i32 to index
      %swap3A_319 = tpu.vector_load %arg4[%swap3A] {strides = array<i32>} : memref<4096xi32, #tpu.memory_space<vmem>>, vector<16xi32>,
      tpu.vector_store %arg4[%swap3A], %add3A_316 {strides = array<i32>} : memref<4096xi32, #tpu.memory_space<vmem>>, vector<16xi32>,
    }
    %scan3A_68 = arith.constant 256 : i32
    %add3A_69 = arith.constant 33 : i32
    %add3A_70 = vector.broadcast %add3A_69 : i32 to vector<16xi32>
    %add3A_71 = arith.addi %add3A_70, %iota3A : vector<16xi32>
    %add3A_72 = arith.constant 4 : i32
    %add3A_73 = vector.broadcast %add3A_72 : i32 to vector<16xi32>
    %add3A_74 = arith.addi %add3A_73, %add3A_71 : vector<16xi32>
    %mul3A_75 = arith.constant 25 : i32
    %mul3A_76 = vector.broadcast %mul3A_75 : i32 to vector<16xi32>
    %mul3A_77 = arith.muli %add3A_71, %mul3A_76 : vector<16xi32>
    %add3A_78 = arith.constant 4 : i32
    %add3A_79 = vector.broadcast %add3A_78 : i32 to vector<16xi32>
    %add3A_80 = arith.addi %add3A_79, %mul3A_77 : vector<16xi32>
    %le3A = arith.constant 163 : i32
    %le3A_81 = vector.broadcast %le3A : i32 to vector<16xi32>
    %le3A_82 = arith.cmpi sle, %add3A_71, %le3A_81 : vector<16xi32>
    tpu.vector_store_idx %arg4[%add3A_74], %add3A_80 masked %le3A_82 : memref<4096xi32, #tpu.memory_space<vmem>>[vector<16xi32>], vector<16xi32>, vector<16xi1>
    %add3A_83 = arith.constant 49 : i32
    %add3A_84 = vector.broadcast %add3A_83 : i32 to vector<16xi32>
    %add3A_85 = arith.addi %add3A_84, %iota3A : vector<16xi32>
    %add3A_86 = arith.constant 4 : i32
    %add3A_87 = vector.broadcast %add3A_86 : i32 to vector<16xi32>
    %add3A_88 = arith.addi %add3A_87, %add3A_85 : vector<16xi32>
    %mul3A_89 = arith.constant 25 : i32
    %mul3A_90 = vector.broadcast %mul3A_89 : i32 to vector<16xi32>
    %mul3A_91 = arith.muli %add3A_85, %mul3A_90 : vector<16xi32>
    %add3A_92 = arith.constant 4 : i32
    %add3A_93 = vector.broadcast %add3A_92 : i32 to vector<16xi32>
    %add3A_94 = arith.addi %add3A_93, %mul3A_91 : vector<16xi32>
    %le3A_95 = arith.constant 163 : i32
    %le3A_96 = vector.broadcast %le3A_95 : i32 to vector<16xi32>
    %le3A_97 = arith.cmpi sle, %add3A_85, %le3A_96 : vector<16xi32>
    tpu.vector_store_idx %arg4[%add3A_88], %add3A_94 masked %le3A_97 : memref<4096xi32, #tpu.memory_space<vmem>>[vector<16xi32>], vector<16xi32>, vector<16xi1>
    %add3A_98 = arith.constant 65 : i32
    %add3A_99 = vector.broadcast %add3A_98 : i32 to vector<16xi32>
    %add3A_100 = arith.addi %add3A_99, %iota3A : vector<16xi32>
    %add3A_101 = arith.constant 4 : i32
    %add3A_102 = vector.broadcast %add3A_101 : i32 to vector<16xi32>
    %add3A_103 = arith.addi %add3A_102, %add3A_100 : vector<16xi32>
    %mul3A_104 = arith.constant 25 : i32
    %mul3A_105 = vector.broadcast %mul3A_104 : i32 to vector<16xi32>
    %mul3A_106 = arith.muli %add3A_100, %mul3A_105 : vector<16xi32>
    %add3A_107 = arith.constant 4 : i32
    %add3A_108 = vector.broadcast %add3A_107 : i32 to vector<16xi32>
    %add3A_109 = arith.addi %add3A_108, %mul3A_106 : vector<16xi32>
    %le3A_110 = arith.constant 163 : i32
    %le3A_111 = vector.broadcast %le3A_110 : i32 to vector<16xi32>
    %le3A_112 = arith.cmpi sle, %add3A_100, %le3A_111 : vector<16xi32>
    tpu.vector_store_idx %arg4[%add3A_103], %add3A_109 masked %le3A_112 : memref<4096xi32, #tpu.memory_space<vmem>>[vector<16xi32>], vector<16xi32>, vector<16xi1>
    %add3A_113 = arith.constant 81 : i32
    %add3A_114 = vector.broadcast %add3A_113 : i32 to vector<16xi32>
    %add3A_115 = arith.addi %add3A_114, %iota3A : vector<16xi32>
    %add3A_116 = arith.constant 4 : i32
    %add3A_117 = vector.broadcast %add3A_116 : i32 to vector<16xi32>
    %add3A_118 = arith.addi %add3A_117, %add3A_115 : vector<16xi32>
    %mul3A_119 = arith.constant 25 : i32
    %mul3A_120 = vector.broadcast %mul3A_119 : i32 to vector<16xi32>
    %mul3A_121 = arith.muli %add3A_115, %mul3A_120 : vector<16xi32>
    %add3A_122 = arith.constant 4 : i32
    %add3A_123 = vector.broadcast %add3A_122 : i32 to vector<16xi32>
    %add3A_124 = arith.addi %add3A_123, %mul3A_121 : vector<16xi32>
    %le3A_125 = arith.constant 163 : i32
    %le3A_126 = vector.broadcast %le3A_125 : i32 to vector<16xi32>
    %le3A_127 = arith.cmpi sle, %add3A_115, %le3A_126 : vector<16xi32>
    tpu.vector_store_idx %arg4[%add3A_118], %add3A_124 masked %le3A_127 : memref<4096xi32, #tpu.memory_space<vmem>>[vector<16xi32>], vector<16xi32>, vector<16xi1>
    %add3A_128 = arith.constant 97 : i32
    %add3A_129 = vector.broadcast %add3A_128 : i32 to vector<16xi32>
    %add3A_130 = arith.addi %add3A_129, %iota3A : vector<16xi32>
    %add3A_131 = arith.constant 4 : i32
    %add3A_132 = vector.broadcast %add3A_131 : i32 to vector<16xi32>
    %add3A_133 = arith.addi %add3A_132, %add3A_130 : vector<16xi32>
    %mul3A_134 = arith.constant 25 : i32
    %mul3A_135 = vector.broadcast %mul3A_134 : i32 to vector<16xi32>
    %mul3A_136 = arith.muli %add3A_130, %mul3A_135 : vector<16xi32>
    %add3A_137 = arith.constant 4 : i32
    %add3A_138 = vector.broadcast %add3A_137 : i32 to vector<16xi32>
    %add3A_139 = arith.addi %add3A_138, %mul3A_136 : vector<16xi32>
    %le3A_140 = arith.constant 163 : i32
    %le3A_141 = vector.broadcast %le3A_140 : i32 to vector<16xi32>
    %le3A_142 = arith.cmpi sle, %add3A_130, %le3A_141 : vector<16xi32>
    tpu.vector_store_idx %arg4[%add3A_133], %add3A_139 masked %le3A_142 : memref<4096xi32, #tpu.memory_space<vmem>>[vector<16xi32>], vector<16xi32>, vector<16xi1>
    %add3A_143 = arith.constant 113 : i32
    %add3A_144 = vector.broadcast %add3A_143 : i32 to vector<16xi32>
    %add3A_145 = arith.addi %add3A_144, %iota3A : vector<16xi32>
    %add3A_146 = arith.constant 4 : i32
    %add3A_147 = vector.broadcast %add3A_146 : i32 to vector<16xi32>
    %add3A_148 = arith.addi %add3A_147, %add3A_145 : vector<16xi32>
    %mul3A_149 = arith.constant 25 : i32
    %mul3A_150 = vector.broadcast %mul3A_149 : i32 to vector<16xi32>
    %mul3A_151 = arith.muli %add3A_145, %mul3A_150 : vector<16xi32>
    %add3A_152 = arith.constant 4 : i32
    %add3A_153 = vector.broadcast %add3A_152 : i32 to vector<16xi32>
    %add3A_154 = arith.addi %add3A_153, %mul3A_151 : vector<16xi32>
    %le3A_155 = arith.constant 163 : i32
    %le3A_156 = vector.broadcast %le3A_155 : i32 to vector<16xi32>
    %le3A_157 = arith.cmpi sle, %add3A_145, %le3A_156 : vector<16xi32>
    tpu.vector_store_idx %arg4[%add3A_148], %add3A_154 masked %le3A_157 : memref<4096xi32, #tpu.memory_space<vmem>>[vector<16xi32>], vector<16xi32>, vector<16xi1>
    %add3A_158 = arith.constant 129 : i32
    %add3A_159 = vector.broadcast %add3A_158 : i32 to vector<16xi32>
    %add3A_160 = arith.addi %add3A_159, %iota3A : vector<16xi32>
    %add3A_161 = arith.constant 4 : i32
    %add3A_162 = vector.broadcast %add3A_161 : i32 to vector<16xi32>
    %add3A_163 = arith.addi %add3A_162, %add3A_160 : vector<16xi32>
    %mul3A_164 = arith.constant 25 : i32
    %mul3A_165 = vector.broadcast %mul3A_164 : i32 to vector<16xi32>
    %mul3A_166 = arith.muli %add3A_160, %mul3A_165 : vector<16xi32>
    %add3A_167 = arith.constant 4 : i32
    %add3A_168 = vector.broadcast %add3A_167 : i32 to vector<16xi32>
    %add3A_169 = arith.addi %add3A_168, %mul3A_166 : vector<16xi32>
    %le3A_170 = arith.constant 163 : i32
    %le3A_171 = vector.broadcast %le3A_170 : i32 to vector<16xi32>
    %le3A_172 = arith.cmpi sle, %add3A_160, %le3A_171 : vector<16xi32>
    tpu.vector_store_idx %arg4[%add3A_163], %add3A_169 masked %le3A_172 : memref<4096xi32, #tpu.memory_space<vmem>>[vector<16xi32>], vector<16xi32>, vector<16xi1>
    %add3A_173 = arith.constant 145 : i32
    %add3A_174 = vector.broadcast %add3A_173 : i32 to vector<16xi32>
    %add3A_175 = arith.addi %add3A_174, %iota3A : vector<16xi32>
    %add3A_176 = arith.constant 4 : i32
    %add3A_177 = vector.broadcast %add3A_176 : i32 to vector<16xi32>
    %add3A_178 = arith.addi %add3A_177, %add3A_175 : vector<16xi32>
    %mul3A_179 = arith.constant 25 : i32
    %mul3A_180 = vector.broadcast %mul3A_179 : i32 to vector<16xi32>
    %mul3A_181 = arith.muli %add3A_175, %mul3A_180 : vector<16xi32>
    %add3A_182 = arith.constant 4 : i32
    %add3A_183 = vector.broadcast %add3A_182 : i32 to vector<16xi32>
    %add3A_184 = arith.addi %add3A_183, %mul3A_181 : vector<16xi32>
    %le3A_185 = arith.constant 163 : i32
    %le3A_186 = vector.broadcast %le3A_185 : i32 to vector<16xi32>
    %le3A_187 = arith.cmpi sle, %add3A_175, %le3A_186 : vector<16xi32>
    tpu.vector_store_idx %arg4[%add3A_178], %add3A_184 masked %le3A_187 : memref<4096xi32, #tpu.memory_space<vmem>>[vector<16xi32>], vector<16xi32>, vector<16xi1>
    %add3A_188 = arith.constant 161 : i32
    %add3A_189 = vector.broadcast %add3A_188 : i32 to vector<16xi32>
    %add3A_190 = arith.addi %add3A_189, %iota3A : vector<16xi32>
    %add3A_191 = arith.constant 4 : i32
    %add3A_192 = vector.broadcast %add3A_191 : i32 to vector<16xi32>
    %add3A_193 = arith.addi %add3A_192, %add3A_190 : vector<16xi32>
    %mul3A_194 = arith.constant 25 : i32
    %mul3A_195 = vector.broadcast %mul3A_194 : i32 to vector<16xi32>
    %mul3A_196 = arith.muli %add3A_190, %mul3A_195 : vector<16xi32>
    %add3A_197 = arith.constant 4 : i32
    %add3A_198 = vector.broadcast %add3A_197 : i32 to vector<16xi32>
    %add3A_199 = arith.addi %add3A_198, %mul3A_196 : vector<16xi32>
    %le3A_200 = arith.constant 163 : i32
    %le3A_201 = vector.broadcast %le3A_200 : i32 to vector<16xi32>
    %le3A_202 = arith.cmpi sle, %add3A_190, %le3A_201 : vector<16xi32>
    tpu.vector_store_idx %arg4[%add3A_193], %add3A_199 masked %le3A_202 : memref<4096xi32, #tpu.memory_space<vmem>>[vector<16xi32>], vector<16xi32>, vector<16xi1>
    %add3A_203 = arith.constant 7 : i32
    %add3A_204 = vector.broadcast %add3A_203 : i32 to vector<16xi32>
    %add3A_205 = arith.addi %add3A_204, %iota3A : vector<16xi32>
    %add3A_206 = arith.constant 4 : i32
    %add3A_207 = vector.broadcast %add3A_206 : i32 to vector<16xi32>
    %add3A_208 = arith.addi %add3A_207, %add3A_205 : vector<16xi32>
    %mul3A_209 = arith.constant 125 : i32
    %mul3A_210 = vector.broadcast %mul3A_209 : i32 to vector<16xi32>
    %mul3A_211 = arith.muli %add3A_205, %mul3A_210 : vector<16xi32>
    %add3A_212 = arith.constant 4 : i32
    %add3A_213 = vector.broadcast %add3A_212 : i32 to vector<16xi32>
    %add3A_214 = arith.addi %add3A_213, %mul3A_211 : vector<16xi32>
    %le3A_215 = arith.constant 32 : i32
    %le3A_216 = vector.broadcast %le3A_215 : i32 to vector<16xi32>
    %le3A_217 = arith.cmpi sle, %add3A_205, %le3A_216 : vector<16xi32>
    tpu.vector_store_idx %arg4[%add3A_208], %add3A_214 masked %le3A_217 : memref<4096xi32, #tpu.memory_space<vmem>>[vector<16xi32>], vector<16xi32>, vector<16xi1>
    %add3A_218 = arith.constant 23 : i32
    %add3A_219 = vector.broadcast %add3A_218 : i32 to vector<16xi32>
    %add3A_220 = arith.addi %add3A_219, %iota3A : vector<16xi32>
    %add3A_221 = arith.constant 4 : i32
    %add3A_222 = vector.broadcast %add3A_221 : i32 to vector<16xi32>
    %add3A_223 = arith.addi %add3A_222, %add3A_220 : vector<16xi32>
    %mul3A_224 = arith.constant 125 : i32
    %mul3A_225 = vector.broadcast %mul3A_224 : i32 to vector<16xi32>
    %mul3A_226 = arith.muli %add3A_220, %mul3A_225 : vector<16xi32>
    %add3A_227 = arith.constant 4 : i32
    %add3A_228 = vector.broadcast %add3A_227 : i32 to vector<16xi32>
    %add3A_229 = arith.addi %add3A_228, %mul3A_226 : vector<16xi32>
    %le3A_230 = arith.constant 32 : i32
    %le3A_231 = vector.broadcast %le3A_230 : i32 to vector<16xi32>
    %le3A_232 = arith.cmpi sle, %add3A_220, %le3A_231 : vector<16xi32>
    tpu.vector_store_idx %arg4[%add3A_223], %add3A_229 masked %le3A_232 : memref<4096xi32, #tpu.memory_space<vmem>>[vector<16xi32>], vector<16xi32>, vector<16xi1>
    %add3A_233 = arith.constant 2 : i32
    %add3A_234 = vector.broadcast %add3A_233 : i32 to vector<16xi32>
    %add3A_235 = arith.addi %add3A_234, %iota3A : vector<16xi32>
    %add3A_236 = arith.constant 4 : i32
    %add3A_237 = vector.broadcast %add3A_236 : i32 to vector<16xi32>
    %add3A_238 = arith.addi %add3A_237, %add3A_235 : vector<16xi32>
    %mul3A_239 = arith.constant 625 : i32
    %mul3A_240 = vector.broadcast %mul3A_239 : i32 to vector<16xi32>
    %mul3A_241 = arith.muli %add3A_235, %mul3A_240 : vector<16xi32>
    %add3A_242 = arith.constant 4 : i32
    %add3A_243 = vector.broadcast %add3A_242 : i32 to vector<16xi32>
    %add3A_244 = arith.addi %add3A_243, %mul3A_241 : vector<16xi32>
    %le3A_245 = arith.constant 6 : i32
    %le3A_246 = vector.broadcast %le3A_245 : i32 to vector<16xi32>
    %le3A_247 = arith.cmpi sle, %add3A_235, %le3A_246 : vector<16xi32>
    tpu.vector_store_idx %arg4[%add3A_238], %add3A_244 masked %le3A_247 : memref<4096xi32, #tpu.memory_space<vmem>>[vector<16xi32>], vector<16xi32>, vector<16xi1>
    %add3A_248 = arith.constant 1 : i32
    %add3A_249 = vector.broadcast %add3A_248 : i32 to vector<16xi32>
    %add3A_250 = arith.addi %add3A_249, %iota3A : vector<16xi32>
    %add3A_251 = arith.constant 4 : i32
    %add3A_252 = vector.broadcast %add3A_251 : i32 to vector<16xi32>
    %add3A_253 = arith.addi %add3A_252, %add3A_250 : vector<16xi32>
    %mul3A_254 = arith.constant 3125 : i32
    %mul3A_255 = vector.broadcast %mul3A_254 : i32 to vector<16xi32>
    %mul3A_256 = arith.muli %add3A_250, %mul3A_255 : vector<16xi32>
    %add3A_257 = arith.constant 4 : i32
    %add3A_258 = vector.broadcast %add3A_257 : i32 to vector<16xi32>
    %add3A_259 = arith.addi %add3A_258, %mul3A_256 : vector<16xi32>
    %le3A_260 = arith.constant 1 : i32
    %le3A_261 = vector.broadcast %le3A_260 : i32 to vector<16xi32>
    %le3A_262 = arith.cmpi sle, %add3A_250, %le3A_261 : vector<16xi32>
    tpu.vector_store_idx %arg4[%add3A_253], %add3A_259 masked %le3A_262 : memref<4096xi32, #tpu.memory_space<vmem>>[vector<16xi32>], vector<16xi32>, vector<16xi1>
    %scan3A_263 = arith.constant 0 : i32
    %scan3A_264 = arith.constant 0 : i32
    %scan3A_265 = arith.constant 41 : i32
    %scan3A_266 = arith.addi %scan3A_264, %scan3A_265 : i32
    %scan3A_267 = arith.constant 1 : i32
    scf.for %scan3A_312 = %scan3A_264 to %scan3A_266 step %scan3A_267  : i32 {
      %mul3A_313 = arith.constant 16 : i32
      %mul3A_314 = arith.muli %mul3A_313, %scan3A_312 : i32
      %add3A_315 = arith.constant 164 : i32
      %add3A_316 = arith.addi %add3A_315, %mul3A_314 : i32
      %add3A_317 = vector.broadcast %add3A_316 : i32 to vector<16xi32>
      %add3A_318 = arith.addi %add3A_317, %iota3A : vector<16xi32>
      %add3A_319 = arith.constant 4 : i32
      %add3A_320 = vector.broadcast %add3A_319 : i32 to vector<16xi32>
      %add3A_321 = arith.addi %add3A_320, %add3A_318 : vector<16xi32>
      %mul3A_322 = arith.constant 5 : i32
      %mul3A_323 = vector.broadcast %mul3A_322 : i32 to vector<16xi32>
      %mul3A_324 = arith.muli %add3A_318, %mul3A_323 : vector<16xi32>
      %add3A_325 = arith.constant 4 : i32
      %add3A_326 = vector.broadcast %add3A_325 : i32 to vector<16xi32>
      %add3A_327 = arith.addi %add3A_326, %mul3A_324 : vector<16xi32>
      %le3A_328 = arith.constant 817 : i32
      %le3A_329 = vector.broadcast %le3A_328 : i32 to vector<16xi32>
      %le3A_330 = arith.cmpi sle, %add3A_318, %le3A_329 : vector<16xi32>
      tpu.vector_store_idx %arg4[%add3A_321], %add3A_327 masked %le3A_330 : memref<4096xi32, #tpu.memory_space<vmem>>[vector<16xi32>], vector<16xi32>, vector<16xi1>
    }
    %scan3A_268 = arith.constant 41 : i32
    %scan3A_269 = arith.constant 0 : i32
    %scan3A_270 = arith.constant 0 : i32
    %scan3A_271 = arith.constant 52 : i32
    %scan3A_272 = arith.addi %scan3A_270, %scan3A_271 : i32
    %scan3A_273 = arith.constant 1 : i32
    scf.for %scan3A_312 = %scan3A_270 to %scan3A_272 step %scan3A_273  : i32 {
      %mul3A_313 = arith.constant 16 : i32
      %mul3A_314 = arith.muli %mul3A_313, %scan3A_312 : i32
      %add3A_315 = arith.constant 1 : i32
      %add3A_316 = arith.addi %add3A_315, %mul3A_314 : i32
      %add3A_317 = vector.broadcast %add3A_316 : i32 to vector<16xi32>
      %add3A_318 = arith.addi %add3A_317, %iota3A : vector<16xi32>
      %mul3A_319 = arith.constant 5 : i32
      %mul3A_320 = vector.broadcast %mul3A_319 : i32 to vector<16xi32>
      %mul3A_321 = arith.muli %mul3A_320, %add3A_318 : vector<16xi32>
      %add3A_322 = arith.constant 4 : i32
      %add3A_323 = vector.broadcast %add3A_322 : i32 to vector<16xi32>
      %add3A_324 = arith.addi %add3A_323, %mul3A_321 : vector<16xi32>
      %add3A_325 = arith.constant 4 : i32
      %add3A_326 = vector.broadcast %add3A_325 : i32 to vector<16xi32>
      %add3A_327 = arith.addi %add3A_326, %add3A_318 : vector<16xi32>
      %le3A_328 = arith.constant 817 : i32
      %le3A_329 = vector.broadcast %le3A_328 : i32 to vector<16xi32>
      %le3A_330 = arith.cmpi sle, %add3A_318, %le3A_329 : vector<16xi32>
      tpu.vector_store_idx %arg4[%add3A_324], %add3A_327 masked %le3A_330 : memref<4096xi32, #tpu.memory_space<vmem>>[vector<16xi32>], vector<16xi32>, vector<16xi1>
    }
    %scan3A_274 = arith.constant 52 : i32
    %scan3A_275 = arith.constant 0 : i32
    %scan3A_276 = arith.constant 0 : i32
    %scan3A_277 = arith.constant 16 : i32
    %scan3A_278 = arith.addi %scan3A_276, %scan3A_277 : i32
    %scan3A_279 = arith.constant 1 : i32
    scf.for %scan3A_312 = %scan3A_276 to %scan3A_278 step %scan3A_279  : i32 {
      %mul3A_313 = arith.constant 4 : i32
      %mul3A_314 = arith.muli %mul3A_313, %scan3A_312 : i32
      %add3A_315 = arith.constant 0 : i32
      %add3A_316 = arith.addi %mul3A_314, %add3A_315 : i32
      %mul3A_317 = arith.constant 2 : i32
      %mul3A_318 = arith.muli %add3A_316, %mul3A_317 : i32
      %add3A_319 = arith.addi %mul3A_32, %mul3A_318 : i32
      %dma_wait3A_320 = arith.constant 0 : i32
      %dma_wait3A_321 = tpu.memref_slice %arg2[%select_n3A, %add3A_319, %dma_wait3A_320] : memref<4x1024x4096xf32, #tpu.memory_space<hbm>> -> memref<1x2x4096xf32, #tpu.memory_space<hbm>>
      %dma_wait3A_322 = tpu.memref_squeeze %dma_wait3A_321 : memref<1x2x4096xf32, #tpu.memory_space<hbm>> -> memref<2x4096xf32, #tpu.memory_space<hbm>>
      %dma_wait3A_323 = arith.constant 0 : i32
      %dma_wait3A_324 = tpu.memref_slice %arg2[%select_n3A, %add3A_319, %dma_wait3A_323] : memref<4x1024x4096xf32, #tpu.memory_space<hbm>> -> memref<1x2x4096xf32, #tpu.memory_space<hbm>>
      %dma_wait3A_325 = tpu.memref_squeeze %dma_wait3A_324 : memref<1x2x4096xf32, #tpu.memory_space<hbm>> -> memref<2x4096xf32, #tpu.memory_space<hbm>>
      tpu.wait_dma2 semaphore(%arg13 : memref<!tpu.dma_semaphore, #tpu.memory_space<semaphore_mem>>) src(%dma_wait3A_325 : memref<2x4096xf32, #tpu.memory_space<hbm>>) dst(%arg5 : memref<2x4096xf32, #tpu.memory_space<vmem>>)
      %ge3A = arith.constant 4 : i32
      %ge3A_326 = arith.cmpi sge, %add3A_316, %ge3A : i32
      %convert_element_type3A = arith.extui %ge3A_326 : i1 to i32
      %cond3A = arith.constant 0 : i32
      %cond3A_327 = arith.cmpi ne, %convert_element_type3A, %cond3A : i32
      scf.if %cond3A_327 {
        %sub3A_457 = arith.constant 4 : i32
        %sub3A_458 = arith.subi %add3A_316, %sub3A_457 : i32
        %mul3A_459 = arith.constant 2 : i32
        %mul3A_460 = arith.muli %sub3A_458, %mul3A_459 : i32
        %add3A_461 = arith.addi %mul3A_32, %mul3A_460 : i32
        %dma_wait3A_462 = arith.constant 0 : i32
        %dma_wait3A_463 = tpu.memref_slice %arg3[%select_n3A, %add3A_461, %dma_wait3A_462] : memref<4x1024x4096xf32, #tpu.memory_space<hbm>> -> memref<1x2x4096xf32, #tpu.memory_space<hbm>>
        %dma_wait3A_464 = tpu.memref_squeeze %dma_wait3A_463 : memref<1x2x4096xf32, #tpu.memory_space<hbm>> -> memref<2x4096xf32, #tpu.memory_space<hbm>>
        %dma_wait3A_465 = arith.constant 0 : i32
        %dma_wait3A_466 = tpu.memref_slice %arg3[%select_n3A, %add3A_461, %dma_wait3A_465] : memref<4x1024x4096xf32, #tpu.memory_space<hbm>> -> memref<1x2x4096xf32, #tpu.memory_space<hbm>>
        %dma_wait3A_467 = tpu.memref_squeeze %dma_wait3A_466 : memref<1x2x4096xf32, #tpu.memory_space<hbm>> -> memref<2x4096xf32, #tpu.memory_space<hbm>>
        tpu.wait_dma2 semaphore(%arg17 : memref<!tpu.dma_semaphore, #tpu.memory_space<semaphore_mem>>) src(%arg9 : memref<2x4096xf32, #tpu.memory_space<vmem>>) dst(%dma_wait3A_467 : memref<2x4096xf32, #tpu.memory_space<hbm>>)
      } else {
      }
      %parallel_loop3A = arith.constant 0 : i32
      %parallel_loop3A_328 = arith.constant 256 : i32
      %parallel_loop3A_329 = arith.constant 1 : i32
      scf.for %parallel_loop3A_457 = %parallel_loop3A to %parallel_loop3A_328 step %parallel_loop3A_329  : i32 {
        %parallel_loop3A_458 = arith.constant 16 : i32
        %parallel_loop3A_459 = arith.muli %parallel_loop3A_457, %parallel_loop3A_458 : i32
        %parallel_loop3A_460 = arith.index_cast %parallel_loop3A_459 : i32 to index
        %parallel_loop3A_461 = tpu.vector_load %arg4[%parallel_loop3A_460] {strides = array<i32>} : memref<4096xi32, #tpu.memory_space<vmem>>, vector<16xi32>,
        %parallel_loop3A_462 = arith.constant 0 : i32
        %parallel_loop3A_463 = vector.broadcast %parallel_loop3A_462 : i32 to vector<16xi32>
        %parallel_loop3A_464 = tpu.vector_load_idx %arg5[%parallel_loop3A_463, %parallel_loop3A_461] : memref<2x4096xf32, #tpu.memory_space<vmem>>[vector<16xi32>, vector<16xi32>], vector<16xf32>,
        %parallel_loop3A_465 = arith.constant 0 : i32
        %parallel_loop3A_466 = arith.index_cast %parallel_loop3A_465 : i32 to index
        %parallel_loop3A_467 = arith.index_cast %parallel_loop3A_459 : i32 to index
        %parallel_loop3A_468 = tpu.vector_load %arg9[%parallel_loop3A_466, %parallel_loop3A_467] {strides = array<i32>} : memref<2x4096xf32, #tpu.memory_space<vmem>>, vector<16xf32>,
        tpu.vector_store %arg9[%parallel_loop3A_466, %parallel_loop3A_467], %parallel_loop3A_464 {strides = array<i32>} : memref<2x4096xf32, #tpu.memory_space<vmem>>, vector<16xf32>,
        %parallel_loop3A_469 = arith.constant 1 : i32
        %parallel_loop3A_470 = vector.broadcast %parallel_loop3A_469 : i32 to vector<16xi32>
        %parallel_loop3A_471 = tpu.vector_load_idx %arg5[%parallel_loop3A_470, %parallel_loop3A_461] : memref<2x4096xf32, #tpu.memory_space<vmem>>[vector<16xi32>, vector<16xi32>], vector<16xf32>,
        %parallel_loop3A_472 = arith.constant 1 : i32
        %parallel_loop3A_473 = arith.index_cast %parallel_loop3A_472 : i32 to index
        %parallel_loop3A_474 = arith.index_cast %parallel_loop3A_459 : i32 to index
        %parallel_loop3A_475 = tpu.vector_load %arg9[%parallel_loop3A_473, %parallel_loop3A_474] {strides = array<i32>} : memref<2x4096xf32, #tpu.memory_space<vmem>>, vector<16xf32>,
        tpu.vector_store %arg9[%parallel_loop3A_473, %parallel_loop3A_474], %parallel_loop3A_471 {strides = array<i32>} : memref<2x4096xf32, #tpu.memory_space<vmem>>, vector<16xf32>,
      } {sc.loop_unroll_factor = 2 : i64, sc.parallel_access}
      %mul3A_330 = arith.constant 2 : i32
      %mul3A_331 = arith.muli %add3A_316, %mul3A_330 : i32
      %add3A_332 = arith.addi %mul3A_32, %mul3A_331 : i32
      %dma_start3A_333 = arith.constant 0 : i32
      %dma_start3A_334 = tpu.memref_slice %arg3[%select_n3A, %add3A_332, %dma_start3A_333] : memref<4x1024x4096xf32, #tpu.memory_space<hbm>> -> memref<1x2x4096xf32, #tpu.memory_space<hbm>>
      %dma_start3A_335 = tpu.memref_squeeze %dma_start3A_334 : memref<1x2x4096xf32, #tpu.memory_space<hbm>> -> memref<2x4096xf32, #tpu.memory_space<hbm>>
      %dma_start3A_336 = arith.constant 0 : i32
      %dma_start3A_337 = tpu.memref_slice %arg3[%select_n3A, %add3A_332, %dma_start3A_336] : memref<4x1024x4096xf32, #tpu.memory_space<hbm>> -> memref<1x2x4096xf32, #tpu.memory_space<hbm>>
      %dma_start3A_338 = tpu.memref_squeeze %dma_start3A_337 : memref<1x2x4096xf32, #tpu.memory_space<hbm>> -> memref<2x4096xf32, #tpu.memory_space<hbm>>
      tpu.enqueue_dma source(%arg9 : memref<2x4096xf32, #tpu.memory_space<vmem>>) target(%dma_start3A_338 : memref<2x4096xf32, #tpu.memory_space<hbm>>) target_semaphore(%arg17 : memref<!tpu.dma_semaphore, #tpu.memory_space<semaphore_mem>>)
      %add3A_339 = arith.constant 4 : i32
      %add3A_340 = arith.addi %add3A_316, %add3A_339 : i32
      %lt3A_341 = arith.constant 64 : i32
      %lt3A_342 = arith.cmpi slt, %add3A_340, %lt3A_341 : i32
      %convert_element_type3A_343 = arith.extui %lt3A_342 : i1 to i32
      %cond3A_344 = arith.constant 0 : i32
      %cond3A_345 = arith.cmpi ne, %convert_element_type3A_343, %cond3A_344 : i32
      scf.if %cond3A_345 {
        %add3A_457 = arith.constant 4 : i32
        %add3A_458 = arith.addi %add3A_316, %add3A_457 : i32
        %mul3A_459 = arith.constant 2 : i32
        %mul3A_460 = arith.muli %add3A_458, %mul3A_459 : i32
        %add3A_461 = arith.addi %mul3A_32, %mul3A_460 : i32
        %dma_start3A_462 = arith.constant 0 : i32
        %dma_start3A_463 = tpu.memref_slice %arg2[%select_n3A, %add3A_461, %dma_start3A_462] : memref<4x1024x4096xf32, #tpu.memory_space<hbm>> -> memref<1x2x4096xf32, #tpu.memory_space<hbm>>
        %dma_start3A_464 = tpu.memref_squeeze %dma_start3A_463 : memref<1x2x4096xf32, #tpu.memory_space<hbm>> -> memref<2x4096xf32, #tpu.memory_space<hbm>>
        %dma_start3A_465 = arith.constant 0 : i32
        %dma_start3A_466 = tpu.memref_slice %arg2[%select_n3A, %add3A_461, %dma_start3A_465] : memref<4x1024x4096xf32, #tpu.memory_space<hbm>> -> memref<1x2x4096xf32, #tpu.memory_space<hbm>>
        %dma_start3A_467 = tpu.memref_squeeze %dma_start3A_466 : memref<1x2x4096xf32, #tpu.memory_space<hbm>> -> memref<2x4096xf32, #tpu.memory_space<hbm>>
        tpu.enqueue_dma source(%dma_start3A_467 : memref<2x4096xf32, #tpu.memory_space<hbm>>) target(%arg5 : memref<2x4096xf32, #tpu.memory_space<vmem>>) target_semaphore(%arg13 : memref<!tpu.dma_semaphore, #tpu.memory_space<semaphore_mem>>)
      } else {
      }
      %mul3A_346 = arith.constant 4 : i32
      %mul3A_347 = arith.muli %mul3A_346, %scan3A_312 : i32
      %add3A_348 = arith.constant 1 : i32
      %add3A_349 = arith.addi %mul3A_347, %add3A_348 : i32
      %mul3A_350 = arith.constant 2 : i32
      %mul3A_351 = arith.muli %add3A_349, %mul3A_350 : i32
      %add3A_352 = arith.addi %mul3A_32, %mul3A_351 : i32
      %dma_wait3A_353 = arith.constant 0 : i32
      %dma_wait3A_354 = tpu.memref_slice %arg2[%select_n3A, %add3A_352, %dma_wait3A_353] : memref<4x1024x4096xf32, #tpu.memory_space<hbm>> -> memref<1x2x4096xf32, #tpu.memory_space<hbm>>
      %dma_wait3A_355 = tpu.memref_squeeze %dma_wait3A_354 : memref<1x2x4096xf32, #tpu.memory_space<hbm>> -> memref<2x4096xf32, #tpu.memory_space<hbm>>
      %dma_wait3A_356 = arith.constant 0 : i32
      %dma_wait3A_357 = tpu.memref_slice %arg2[%select_n3A, %add3A_352, %dma_wait3A_356] : memref<4x1024x4096xf32, #tpu.memory_space<hbm>> -> memref<1x2x4096xf32, #tpu.memory_space<hbm>>
      %dma_wait3A_358 = tpu.memref_squeeze %dma_wait3A_357 : memref<1x2x4096xf32, #tpu.memory_space<hbm>> -> memref<2x4096xf32, #tpu.memory_space<hbm>>
      tpu.wait_dma2 semaphore(%arg14 : memref<!tpu.dma_semaphore, #tpu.memory_space<semaphore_mem>>) src(%dma_wait3A_358 : memref<2x4096xf32, #tpu.memory_space<hbm>>) dst(%arg6 : memref<2x4096xf32, #tpu.memory_space<vmem>>)
      %ge3A_359 = arith.constant 4 : i32
      %ge3A_360 = arith.cmpi sge, %add3A_349, %ge3A_359 : i32
      %convert_element_type3A_361 = arith.extui %ge3A_360 : i1 to i32
      %cond3A_362 = arith.constant 0 : i32
      %cond3A_363 = arith.cmpi ne, %convert_element_type3A_361, %cond3A_362 : i32
      scf.if %cond3A_363 {
        %sub3A_457 = arith.constant 4 : i32
        %sub3A_458 = arith.subi %add3A_349, %sub3A_457 : i32
        %mul3A_459 = arith.constant 2 : i32
        %mul3A_460 = arith.muli %sub3A_458, %mul3A_459 : i32
        %add3A_461 = arith.addi %mul3A_32, %mul3A_460 : i32
        %dma_wait3A_462 = arith.constant 0 : i32
        %dma_wait3A_463 = tpu.memref_slice %arg3[%select_n3A, %add3A_461, %dma_wait3A_462] : memref<4x1024x4096xf32, #tpu.memory_space<hbm>> -> memref<1x2x4096xf32, #tpu.memory_space<hbm>>
        %dma_wait3A_464 = tpu.memref_squeeze %dma_wait3A_463 : memref<1x2x4096xf32, #tpu.memory_space<hbm>> -> memref<2x4096xf32, #tpu.memory_space<hbm>>
        %dma_wait3A_465 = arith.constant 0 : i32
        %dma_wait3A_466 = tpu.memref_slice %arg3[%select_n3A, %add3A_461, %dma_wait3A_465] : memref<4x1024x4096xf32, #tpu.memory_space<hbm>> -> memref<1x2x4096xf32, #tpu.memory_space<hbm>>
        %dma_wait3A_467 = tpu.memref_squeeze %dma_wait3A_466 : memref<1x2x4096xf32, #tpu.memory_space<hbm>> -> memref<2x4096xf32, #tpu.memory_space<hbm>>
        tpu.wait_dma2 semaphore(%arg18 : memref<!tpu.dma_semaphore, #tpu.memory_space<semaphore_mem>>) src(%arg10 : memref<2x4096xf32, #tpu.memory_space<vmem>>) dst(%dma_wait3A_467 : memref<2x4096xf32, #tpu.memory_space<hbm>>)
      } else {
      }
      %parallel_loop3A_364 = arith.constant 0 : i32
      %parallel_loop3A_365 = arith.constant 256 : i32
      %parallel_loop3A_366 = arith.constant 1 : i32
      scf.for %parallel_loop3A_457 = %parallel_loop3A_364 to %parallel_loop3A_365 step %parallel_loop3A_366  : i32 {
        %parallel_loop3A_458 = arith.constant 16 : i32
        %parallel_loop3A_459 = arith.muli %parallel_loop3A_457, %parallel_loop3A_458 : i32
        %parallel_loop3A_460 = arith.index_cast %parallel_loop3A_459 : i32 to index
        %parallel_loop3A_461 = tpu.vector_load %arg4[%parallel_loop3A_460] {strides = array<i32>} : memref<4096xi32, #tpu.memory_space<vmem>>, vector<16xi32>,
        %parallel_loop3A_462 = arith.constant 0 : i32
        %parallel_loop3A_463 = vector.broadcast %parallel_loop3A_462 : i32 to vector<16xi32>
        %parallel_loop3A_464 = tpu.vector_load_idx %arg6[%parallel_loop3A_463, %parallel_loop3A_461] : memref<2x4096xf32, #tpu.memory_space<vmem>>[vector<16xi32>, vector<16xi32>], vector<16xf32>,
        %parallel_loop3A_465 = arith.constant 0 : i32
        %parallel_loop3A_466 = arith.index_cast %parallel_loop3A_465 : i32 to index
        %parallel_loop3A_467 = arith.index_cast %parallel_loop3A_459 : i32 to index
        %parallel_loop3A_468 = tpu.vector_load %arg10[%parallel_loop3A_466, %parallel_loop3A_467] {strides = array<i32>} : memref<2x4096xf32, #tpu.memory_space<vmem>>, vector<16xf32>,
        tpu.vector_store %arg10[%parallel_loop3A_466, %parallel_loop3A_467], %parallel_loop3A_464 {strides = array<i32>} : memref<2x4096xf32, #tpu.memory_space<vmem>>, vector<16xf32>,
        %parallel_loop3A_469 = arith.constant 1 : i32
        %parallel_loop3A_470 = vector.broadcast %parallel_loop3A_469 : i32 to vector<16xi32>
        %parallel_loop3A_471 = tpu.vector_load_idx %arg6[%parallel_loop3A_470, %parallel_loop3A_461] : memref<2x4096xf32, #tpu.memory_space<vmem>>[vector<16xi32>, vector<16xi32>], vector<16xf32>,
        %parallel_loop3A_472 = arith.constant 1 : i32
        %parallel_loop3A_473 = arith.index_cast %parallel_loop3A_472 : i32 to index
        %parallel_loop3A_474 = arith.index_cast %parallel_loop3A_459 : i32 to index
        %parallel_loop3A_475 = tpu.vector_load %arg10[%parallel_loop3A_473, %parallel_loop3A_474] {strides = array<i32>} : memref<2x4096xf32, #tpu.memory_space<vmem>>, vector<16xf32>,
        tpu.vector_store %arg10[%parallel_loop3A_473, %parallel_loop3A_474], %parallel_loop3A_471 {strides = array<i32>} : memref<2x4096xf32, #tpu.memory_space<vmem>>, vector<16xf32>,
      } {sc.loop_unroll_factor = 2 : i64, sc.parallel_access}
      %mul3A_367 = arith.constant 2 : i32
      %mul3A_368 = arith.muli %add3A_349, %mul3A_367 : i32
      %add3A_369 = arith.addi %mul3A_32, %mul3A_368 : i32
      %dma_start3A_370 = arith.constant 0 : i32
      %dma_start3A_371 = tpu.memref_slice %arg3[%select_n3A, %add3A_369, %dma_start3A_370] : memref<4x1024x4096xf32, #tpu.memory_space<hbm>> -> memref<1x2x4096xf32, #tpu.memory_space<hbm>>
      %dma_start3A_372 = tpu.memref_squeeze %dma_start3A_371 : memref<1x2x4096xf32, #tpu.memory_space<hbm>> -> memref<2x4096xf32, #tpu.memory_space<hbm>>
      %dma_start3A_373 = arith.constant 0 : i32
      %dma_start3A_374 = tpu.memref_slice %arg3[%select_n3A, %add3A_369, %dma_start3A_373] : memref<4x1024x4096xf32, #tpu.memory_space<hbm>> -> memref<1x2x4096xf32, #tpu.memory_space<hbm>>
      %dma_start3A_375 = tpu.memref_squeeze %dma_start3A_374 : memref<1x2x4096xf32, #tpu.memory_space<hbm>> -> memref<2x4096xf32, #tpu.memory_space<hbm>>
      tpu.enqueue_dma source(%arg10 : memref<2x4096xf32, #tpu.memory_space<vmem>>) target(%dma_start3A_375 : memref<2x4096xf32, #tpu.memory_space<hbm>>) target_semaphore(%arg18 : memref<!tpu.dma_semaphore, #tpu.memory_space<semaphore_mem>>)
      %add3A_376 = arith.constant 4 : i32
      %add3A_377 = arith.addi %add3A_349, %add3A_376 : i32
      %lt3A_378 = arith.constant 64 : i32
      %lt3A_379 = arith.cmpi slt, %add3A_377, %lt3A_378 : i32
      %convert_element_type3A_380 = arith.extui %lt3A_379 : i1 to i32
      %cond3A_381 = arith.constant 0 : i32
      %cond3A_382 = arith.cmpi ne, %convert_element_type3A_380, %cond3A_381 : i32
      scf.if %cond3A_382 {
        %add3A_457 = arith.constant 4 : i32
        %add3A_458 = arith.addi %add3A_349, %add3A_457 : i32
        %mul3A_459 = arith.constant 2 : i32
        %mul3A_460 = arith.muli %add3A_458, %mul3A_459 : i32
        %add3A_461 = arith.addi %mul3A_32, %mul3A_460 : i32
        %dma_start3A_462 = arith.constant 0 : i32
        %dma_start3A_463 = tpu.memref_slice %arg2[%select_n3A, %add3A_461, %dma_start3A_462] : memref<4x1024x4096xf32, #tpu.memory_space<hbm>> -> memref<1x2x4096xf32, #tpu.memory_space<hbm>>
        %dma_start3A_464 = tpu.memref_squeeze %dma_start3A_463 : memref<1x2x4096xf32, #tpu.memory_space<hbm>> -> memref<2x4096xf32, #tpu.memory_space<hbm>>
        %dma_start3A_465 = arith.constant 0 : i32
        %dma_start3A_466 = tpu.memref_slice %arg2[%select_n3A, %add3A_461, %dma_start3A_465] : memref<4x1024x4096xf32, #tpu.memory_space<hbm>> -> memref<1x2x4096xf32, #tpu.memory_space<hbm>>
        %dma_start3A_467 = tpu.memref_squeeze %dma_start3A_466 : memref<1x2x4096xf32, #tpu.memory_space<hbm>> -> memref<2x4096xf32, #tpu.memory_space<hbm>>
        tpu.enqueue_dma source(%dma_start3A_467 : memref<2x4096xf32, #tpu.memory_space<hbm>>) target(%arg6 : memref<2x4096xf32, #tpu.memory_space<vmem>>) target_semaphore(%arg14 : memref<!tpu.dma_semaphore, #tpu.memory_space<semaphore_mem>>)
      } else {
      }
      %mul3A_383 = arith.constant 4 : i32
      %mul3A_384 = arith.muli %mul3A_383, %scan3A_312 : i32
      %add3A_385 = arith.constant 2 : i32
      %add3A_386 = arith.addi %mul3A_384, %add3A_385 : i32
      %mul3A_387 = arith.constant 2 : i32
      %mul3A_388 = arith.muli %add3A_386, %mul3A_387 : i32
      %add3A_389 = arith.addi %mul3A_32, %mul3A_388 : i32
      %dma_wait3A_390 = arith.constant 0 : i32
      %dma_wait3A_391 = tpu.memref_slice %arg2[%select_n3A, %add3A_389, %dma_wait3A_390] : memref<4x1024x4096xf32, #tpu.memory_space<hbm>> -> memref<1x2x4096xf32, #tpu.memory_space<hbm>>
      %dma_wait3A_392 = tpu.memref_squeeze %dma_wait3A_391 : memref<1x2x4096xf32, #tpu.memory_space<hbm>> -> memref<2x4096xf32, #tpu.memory_space<hbm>>
      %dma_wait3A_393 = arith.constant 0 : i32
      %dma_wait3A_394 = tpu.memref_slice %arg2[%select_n3A, %add3A_389, %dma_wait3A_393] : memref<4x1024x4096xf32, #tpu.memory_space<hbm>> -> memref<1x2x4096xf32, #tpu.memory_space<hbm>>
      %dma_wait3A_395 = tpu.memref_squeeze %dma_wait3A_394 : memref<1x2x4096xf32, #tpu.memory_space<hbm>> -> memref<2x4096xf32, #tpu.memory_space<hbm>>
      tpu.wait_dma2 semaphore(%arg15 : memref<!tpu.dma_semaphore, #tpu.memory_space<semaphore_mem>>) src(%dma_wait3A_395 : memref<2x4096xf32, #tpu.memory_space<hbm>>) dst(%arg7 : memref<2x4096xf32, #tpu.memory_space<vmem>>)
      %ge3A_396 = arith.constant 4 : i32
      %ge3A_397 = arith.cmpi sge, %add3A_386, %ge3A_396 : i32
      %convert_element_type3A_398 = arith.extui %ge3A_397 : i1 to i32
      %cond3A_399 = arith.constant 0 : i32
      %cond3A_400 = arith.cmpi ne, %convert_element_type3A_398, %cond3A_399 : i32
      scf.if %cond3A_400 {
        %sub3A_457 = arith.constant 4 : i32
        %sub3A_458 = arith.subi %add3A_386, %sub3A_457 : i32
        %mul3A_459 = arith.constant 2 : i32
        %mul3A_460 = arith.muli %sub3A_458, %mul3A_459 : i32
        %add3A_461 = arith.addi %mul3A_32, %mul3A_460 : i32
        %dma_wait3A_462 = arith.constant 0 : i32
        %dma_wait3A_463 = tpu.memref_slice %arg3[%select_n3A, %add3A_461, %dma_wait3A_462] : memref<4x1024x4096xf32, #tpu.memory_space<hbm>> -> memref<1x2x4096xf32, #tpu.memory_space<hbm>>
        %dma_wait3A_464 = tpu.memref_squeeze %dma_wait3A_463 : memref<1x2x4096xf32, #tpu.memory_space<hbm>> -> memref<2x4096xf32, #tpu.memory_space<hbm>>
        %dma_wait3A_465 = arith.constant 0 : i32
        %dma_wait3A_466 = tpu.memref_slice %arg3[%select_n3A, %add3A_461, %dma_wait3A_465] : memref<4x1024x4096xf32, #tpu.memory_space<hbm>> -> memref<1x2x4096xf32, #tpu.memory_space<hbm>>
        %dma_wait3A_467 = tpu.memref_squeeze %dma_wait3A_466 : memref<1x2x4096xf32, #tpu.memory_space<hbm>> -> memref<2x4096xf32, #tpu.memory_space<hbm>>
        tpu.wait_dma2 semaphore(%arg19 : memref<!tpu.dma_semaphore, #tpu.memory_space<semaphore_mem>>) src(%arg11 : memref<2x4096xf32, #tpu.memory_space<vmem>>) dst(%dma_wait3A_467 : memref<2x4096xf32, #tpu.memory_space<hbm>>)
      } else {
      }
      %parallel_loop3A_401 = arith.constant 0 : i32
      %parallel_loop3A_402 = arith.constant 256 : i32
      %parallel_loop3A_403 = arith.constant 1 : i32
      scf.for %parallel_loop3A_457 = %parallel_loop3A_401 to %parallel_loop3A_402 step %parallel_loop3A_403  : i32 {
        %parallel_loop3A_458 = arith.constant 16 : i32
        %parallel_loop3A_459 = arith.muli %parallel_loop3A_457, %parallel_loop3A_458 : i32
        %parallel_loop3A_460 = arith.index_cast %parallel_loop3A_459 : i32 to index
        %parallel_loop3A_461 = tpu.vector_load %arg4[%parallel_loop3A_460] {strides = array<i32>} : memref<4096xi32, #tpu.memory_space<vmem>>, vector<16xi32>,
        %parallel_loop3A_462 = arith.constant 0 : i32
        %parallel_loop3A_463 = vector.broadcast %parallel_loop3A_462 : i32 to vector<16xi32>
        %parallel_loop3A_464 = tpu.vector_load_idx %arg7[%parallel_loop3A_463, %parallel_loop3A_461] : memref<2x4096xf32, #tpu.memory_space<vmem>>[vector<16xi32>, vector<16xi32>], vector<16xf32>,
        %parallel_loop3A_465 = arith.constant 0 : i32
        %parallel_loop3A_466 = arith.index_cast %parallel_loop3A_465 : i32 to index
        %parallel_loop3A_467 = arith.index_cast %parallel_loop3A_459 : i32 to index
        %parallel_loop3A_468 = tpu.vector_load %arg11[%parallel_loop3A_466, %parallel_loop3A_467] {strides = array<i32>} : memref<2x4096xf32, #tpu.memory_space<vmem>>, vector<16xf32>,
        tpu.vector_store %arg11[%parallel_loop3A_466, %parallel_loop3A_467], %parallel_loop3A_464 {strides = array<i32>} : memref<2x4096xf32, #tpu.memory_space<vmem>>, vector<16xf32>,
        %parallel_loop3A_469 = arith.constant 1 : i32
        %parallel_loop3A_470 = vector.broadcast %parallel_loop3A_469 : i32 to vector<16xi32>
        %parallel_loop3A_471 = tpu.vector_load_idx %arg7[%parallel_loop3A_470, %parallel_loop3A_461] : memref<2x4096xf32, #tpu.memory_space<vmem>>[vector<16xi32>, vector<16xi32>], vector<16xf32>,
        %parallel_loop3A_472 = arith.constant 1 : i32
        %parallel_loop3A_473 = arith.index_cast %parallel_loop3A_472 : i32 to index
        %parallel_loop3A_474 = arith.index_cast %parallel_loop3A_459 : i32 to index
        %parallel_loop3A_475 = tpu.vector_load %arg11[%parallel_loop3A_473, %parallel_loop3A_474] {strides = array<i32>} : memref<2x4096xf32, #tpu.memory_space<vmem>>, vector<16xf32>,
        tpu.vector_store %arg11[%parallel_loop3A_473, %parallel_loop3A_474], %parallel_loop3A_471 {strides = array<i32>} : memref<2x4096xf32, #tpu.memory_space<vmem>>, vector<16xf32>,
      } {sc.loop_unroll_factor = 2 : i64, sc.parallel_access}
      %mul3A_404 = arith.constant 2 : i32
      %mul3A_405 = arith.muli %add3A_386, %mul3A_404 : i32
      %add3A_406 = arith.addi %mul3A_32, %mul3A_405 : i32
      %dma_start3A_407 = arith.constant 0 : i32
      %dma_start3A_408 = tpu.memref_slice %arg3[%select_n3A, %add3A_406, %dma_start3A_407] : memref<4x1024x4096xf32, #tpu.memory_space<hbm>> -> memref<1x2x4096xf32, #tpu.memory_space<hbm>>
      %dma_start3A_409 = tpu.memref_squeeze %dma_start3A_408 : memref<1x2x4096xf32, #tpu.memory_space<hbm>> -> memref<2x4096xf32, #tpu.memory_space<hbm>>
      %dma_start3A_410 = arith.constant 0 : i32
      %dma_start3A_411 = tpu.memref_slice %arg3[%select_n3A, %add3A_406, %dma_start3A_410] : memref<4x1024x4096xf32, #tpu.memory_space<hbm>> -> memref<1x2x4096xf32, #tpu.memory_space<hbm>>
      %dma_start3A_412 = tpu.memref_squeeze %dma_start3A_411 : memref<1x2x4096xf32, #tpu.memory_space<hbm>> -> memref<2x4096xf32, #tpu.memory_space<hbm>>
      tpu.enqueue_dma source(%arg11 : memref<2x4096xf32, #tpu.memory_space<vmem>>) target(%dma_start3A_412 : memref<2x4096xf32, #tpu.memory_space<hbm>>) target_semaphore(%arg19 : memref<!tpu.dma_semaphore, #tpu.memory_space<semaphore_mem>>)
      %add3A_413 = arith.constant 4 : i32
      %add3A_414 = arith.addi %add3A_386, %add3A_413 : i32
      %lt3A_415 = arith.constant 64 : i32
      %lt3A_416 = arith.cmpi slt, %add3A_414, %lt3A_415 : i32
      %convert_element_type3A_417 = arith.extui %lt3A_416 : i1 to i32
      %cond3A_418 = arith.constant 0 : i32
      %cond3A_419 = arith.cmpi ne, %convert_element_type3A_417, %cond3A_418 : i32
      scf.if %cond3A_419 {
        %add3A_457 = arith.constant 4 : i32
        %add3A_458 = arith.addi %add3A_386, %add3A_457 : i32
        %mul3A_459 = arith.constant 2 : i32
        %mul3A_460 = arith.muli %add3A_458, %mul3A_459 : i32
        %add3A_461 = arith.addi %mul3A_32, %mul3A_460 : i32
        %dma_start3A_462 = arith.constant 0 : i32
        %dma_start3A_463 = tpu.memref_slice %arg2[%select_n3A, %add3A_461, %dma_start3A_462] : memref<4x1024x4096xf32, #tpu.memory_space<hbm>> -> memref<1x2x4096xf32, #tpu.memory_space<hbm>>
        %dma_start3A_464 = tpu.memref_squeeze %dma_start3A_463 : memref<1x2x4096xf32, #tpu.memory_space<hbm>> -> memref<2x4096xf32, #tpu.memory_space<hbm>>
        %dma_start3A_465 = arith.constant 0 : i32
        %dma_start3A_466 = tpu.memref_slice %arg2[%select_n3A, %add3A_461, %dma_start3A_465] : memref<4x1024x4096xf32, #tpu.memory_space<hbm>> -> memref<1x2x4096xf32, #tpu.memory_space<hbm>>
        %dma_start3A_467 = tpu.memref_squeeze %dma_start3A_466 : memref<1x2x4096xf32, #tpu.memory_space<hbm>> -> memref<2x4096xf32, #tpu.memory_space<hbm>>
        tpu.enqueue_dma source(%dma_start3A_467 : memref<2x4096xf32, #tpu.memory_space<hbm>>) target(%arg7 : memref<2x4096xf32, #tpu.memory_space<vmem>>) target_semaphore(%arg15 : memref<!tpu.dma_semaphore, #tpu.memory_space<semaphore_mem>>)
      } else {
      }
      %mul3A_420 = arith.constant 4 : i32
      %mul3A_421 = arith.muli %mul3A_420, %scan3A_312 : i32
      %add3A_422 = arith.constant 3 : i32
      %add3A_423 = arith.addi %mul3A_421, %add3A_422 : i32
      %mul3A_424 = arith.constant 2 : i32
      %mul3A_425 = arith.muli %add3A_423, %mul3A_424 : i32
      %add3A_426 = arith.addi %mul3A_32, %mul3A_425 : i32
      %dma_wait3A_427 = arith.constant 0 : i32
      %dma_wait3A_428 = tpu.memref_slice %arg2[%select_n3A, %add3A_426, %dma_wait3A_427] : memref<4x1024x4096xf32, #tpu.memory_space<hbm>> -> memref<1x2x4096xf32, #tpu.memory_space<hbm>>
      %dma_wait3A_429 = tpu.memref_squeeze %dma_wait3A_428 : memref<1x2x4096xf32, #tpu.memory_space<hbm>> -> memref<2x4096xf32, #tpu.memory_space<hbm>>
      %dma_wait3A_430 = arith.constant 0 : i32
      %dma_wait3A_431 = tpu.memref_slice %arg2[%select_n3A, %add3A_426, %dma_wait3A_430] : memref<4x1024x4096xf32, #tpu.memory_space<hbm>> -> memref<1x2x4096xf32, #tpu.memory_space<hbm>>
      %dma_wait3A_432 = tpu.memref_squeeze %dma_wait3A_431 : memref<1x2x4096xf32, #tpu.memory_space<hbm>> -> memref<2x4096xf32, #tpu.memory_space<hbm>>
      tpu.wait_dma2 semaphore(%arg16 : memref<!tpu.dma_semaphore, #tpu.memory_space<semaphore_mem>>) src(%dma_wait3A_432 : memref<2x4096xf32, #tpu.memory_space<hbm>>) dst(%arg8 : memref<2x4096xf32, #tpu.memory_space<vmem>>)
      %ge3A_433 = arith.constant 4 : i32
      %ge3A_434 = arith.cmpi sge, %add3A_423, %ge3A_433 : i32
      %convert_element_type3A_435 = arith.extui %ge3A_434 : i1 to i32
      %cond3A_436 = arith.constant 0 : i32
      %cond3A_437 = arith.cmpi ne, %convert_element_type3A_435, %cond3A_436 : i32
      scf.if %cond3A_437 {
        %sub3A_457 = arith.constant 4 : i32
        %sub3A_458 = arith.subi %add3A_423, %sub3A_457 : i32
        %mul3A_459 = arith.constant 2 : i32
        %mul3A_460 = arith.muli %sub3A_458, %mul3A_459 : i32
        %add3A_461 = arith.addi %mul3A_32, %mul3A_460 : i32
        %dma_wait3A_462 = arith.constant 0 : i32
        %dma_wait3A_463 = tpu.memref_slice %arg3[%select_n3A, %add3A_461, %dma_wait3A_462] : memref<4x1024x4096xf32, #tpu.memory_space<hbm>> -> memref<1x2x4096xf32, #tpu.memory_space<hbm>>
        %dma_wait3A_464 = tpu.memref_squeeze %dma_wait3A_463 : memref<1x2x4096xf32, #tpu.memory_space<hbm>> -> memref<2x4096xf32, #tpu.memory_space<hbm>>
        %dma_wait3A_465 = arith.constant 0 : i32
        %dma_wait3A_466 = tpu.memref_slice %arg3[%select_n3A, %add3A_461, %dma_wait3A_465] : memref<4x1024x4096xf32, #tpu.memory_space<hbm>> -> memref<1x2x4096xf32, #tpu.memory_space<hbm>>
        %dma_wait3A_467 = tpu.memref_squeeze %dma_wait3A_466 : memref<1x2x4096xf32, #tpu.memory_space<hbm>> -> memref<2x4096xf32, #tpu.memory_space<hbm>>
        tpu.wait_dma2 semaphore(%arg20 : memref<!tpu.dma_semaphore, #tpu.memory_space<semaphore_mem>>) src(%arg12 : memref<2x4096xf32, #tpu.memory_space<vmem>>) dst(%dma_wait3A_467 : memref<2x4096xf32, #tpu.memory_space<hbm>>)
      } else {
      }
      %parallel_loop3A_438 = arith.constant 0 : i32
      %parallel_loop3A_439 = arith.constant 256 : i32
      %parallel_loop3A_440 = arith.constant 1 : i32
      scf.for %parallel_loop3A_457 = %parallel_loop3A_438 to %parallel_loop3A_439 step %parallel_loop3A_440  : i32 {
        %parallel_loop3A_458 = arith.constant 16 : i32
        %parallel_loop3A_459 = arith.muli %parallel_loop3A_457, %parallel_loop3A_458 : i32
        %parallel_loop3A_460 = arith.index_cast %parallel_loop3A_459 : i32 to index
        %parallel_loop3A_461 = tpu.vector_load %arg4[%parallel_loop3A_460] {strides = array<i32>} : memref<4096xi32, #tpu.memory_space<vmem>>, vector<16xi32>,
        %parallel_loop3A_462 = arith.constant 0 : i32
        %parallel_loop3A_463 = vector.broadcast %parallel_loop3A_462 : i32 to vector<16xi32>
        %parallel_loop3A_464 = tpu.vector_load_idx %arg8[%parallel_loop3A_463, %parallel_loop3A_461] : memref<2x4096xf32, #tpu.memory_space<vmem>>[vector<16xi32>, vector<16xi32>], vector<16xf32>,
        %parallel_loop3A_465 = arith.constant 0 : i32
        %parallel_loop3A_466 = arith.index_cast %parallel_loop3A_465 : i32 to index
        %parallel_loop3A_467 = arith.index_cast %parallel_loop3A_459 : i32 to index
        %parallel_loop3A_468 = tpu.vector_load %arg12[%parallel_loop3A_466, %parallel_loop3A_467] {strides = array<i32>} : memref<2x4096xf32, #tpu.memory_space<vmem>>, vector<16xf32>,
        tpu.vector_store %arg12[%parallel_loop3A_466, %parallel_loop3A_467], %parallel_loop3A_464 {strides = array<i32>} : memref<2x4096xf32, #tpu.memory_space<vmem>>, vector<16xf32>,
        %parallel_loop3A_469 = arith.constant 1 : i32
        %parallel_loop3A_470 = vector.broadcast %parallel_loop3A_469 : i32 to vector<16xi32>
        %parallel_loop3A_471 = tpu.vector_load_idx %arg8[%parallel_loop3A_470, %parallel_loop3A_461] : memref<2x4096xf32, #tpu.memory_space<vmem>>[vector<16xi32>, vector<16xi32>], vector<16xf32>,
        %parallel_loop3A_472 = arith.constant 1 : i32
        %parallel_loop3A_473 = arith.index_cast %parallel_loop3A_472 : i32 to index
        %parallel_loop3A_474 = arith.index_cast %parallel_loop3A_459 : i32 to index
        %parallel_loop3A_475 = tpu.vector_load %arg12[%parallel_loop3A_473, %parallel_loop3A_474] {strides = array<i32>} : memref<2x4096xf32, #tpu.memory_space<vmem>>, vector<16xf32>,
        tpu.vector_store %arg12[%parallel_loop3A_473, %parallel_loop3A_474], %parallel_loop3A_471 {strides = array<i32>} : memref<2x4096xf32, #tpu.memory_space<vmem>>, vector<16xf32>,
      } {sc.loop_unroll_factor = 2 : i64, sc.parallel_access}
      %mul3A_441 = arith.constant 2 : i32
      %mul3A_442 = arith.muli %add3A_423, %mul3A_441 : i32
      %add3A_443 = arith.addi %mul3A_32, %mul3A_442 : i32
      %dma_start3A_444 = arith.constant 0 : i32
      %dma_start3A_445 = tpu.memref_slice %arg3[%select_n3A, %add3A_443, %dma_start3A_444] : memref<4x1024x4096xf32, #tpu.memory_space<hbm>> -> memref<1x2x4096xf32, #tpu.memory_space<hbm>>
      %dma_start3A_446 = tpu.memref_squeeze %dma_start3A_445 : memref<1x2x4096xf32, #tpu.memory_space<hbm>> -> memref<2x4096xf32, #tpu.memory_space<hbm>>
      %dma_start3A_447 = arith.constant 0 : i32
      %dma_start3A_448 = tpu.memref_slice %arg3[%select_n3A, %add3A_443, %dma_start3A_447] : memref<4x1024x4096xf32, #tpu.memory_space<hbm>> -> memref<1x2x4096xf32, #tpu.memory_space<hbm>>
      %dma_start3A_449 = tpu.memref_squeeze %dma_start3A_448 : memref<1x2x4096xf32, #tpu.memory_space<hbm>> -> memref<2x4096xf32, #tpu.memory_space<hbm>>
      tpu.enqueue_dma source(%arg12 : memref<2x4096xf32, #tpu.memory_space<vmem>>) target(%dma_start3A_449 : memref<2x4096xf32, #tpu.memory_space<hbm>>) target_semaphore(%arg20 : memref<!tpu.dma_semaphore, #tpu.memory_space<semaphore_mem>>)
      %add3A_450 = arith.constant 4 : i32
      %add3A_451 = arith.addi %add3A_423, %add3A_450 : i32
      %lt3A_452 = arith.constant 64 : i32
      %lt3A_453 = arith.cmpi slt, %add3A_451, %lt3A_452 : i32
      %convert_element_type3A_454 = arith.extui %lt3A_453 : i1 to i32
      %cond3A_455 = arith.constant 0 : i32
      %cond3A_456 = arith.cmpi ne, %convert_element_type3A_454, %cond3A_455 : i32
      scf.if %cond3A_456 {
        %add3A_457 = arith.constant 4 : i32
        %add3A_458 = arith.addi %add3A_423, %add3A_457 : i32
        %mul3A_459 = arith.constant 2 : i32
        %mul3A_460 = arith.muli %add3A_458, %mul3A_459 : i32
        %add3A_461 = arith.addi %mul3A_32, %mul3A_460 : i32
        %dma_start3A_462 = arith.constant 0 : i32
        %dma_start3A_463 = tpu.memref_slice %arg2[%select_n3A, %add3A_461, %dma_start3A_462] : memref<4x1024x4096xf32, #tpu.memory_space<hbm>> -> memref<1x2x4096xf32, #tpu.memory_space<hbm>>
        %dma_start3A_464 = tpu.memref_squeeze %dma_start3A_463 : memref<1x2x4096xf32, #tpu.memory_space<hbm>> -> memref<2x4096xf32, #tpu.memory_space<hbm>>
        %dma_start3A_465 = arith.constant 0 : i32
        %dma_start3A_466 = tpu.memref_slice %arg2[%select_n3A, %add3A_461, %dma_start3A_465] : memref<4x1024x4096xf32, #tpu.memory_space<hbm>> -> memref<1x2x4096xf32, #tpu.memory_space<hbm>>
        %dma_start3A_467 = tpu.memref_squeeze %dma_start3A_466 : memref<1x2x4096xf32, #tpu.memory_space<hbm>> -> memref<2x4096xf32, #tpu.memory_space<hbm>>
        tpu.enqueue_dma source(%dma_start3A_467 : memref<2x4096xf32, #tpu.memory_space<hbm>>) target(%arg8 : memref<2x4096xf32, #tpu.memory_space<vmem>>) target_semaphore(%arg16 : memref<!tpu.dma_semaphore, #tpu.memory_space<semaphore_mem>>)
      } else {
      }
    }
    %scan3A_280 = arith.constant 16 : i32
    %add3A_281 = arith.constant 120 : i32
    %add3A_282 = arith.addi %mul3A_32, %add3A_281 : i32
    %dma_wait3A = arith.constant 0 : i32
    %dma_wait3A_283 = tpu.memref_slice %arg3[%select_n3A, %add3A_282, %dma_wait3A] : memref<4x1024x4096xf32, #tpu.memory_space<hbm>> -> memref<1x2x4096xf32, #tpu.memory_space<hbm>>
    %dma_wait3A_284 = tpu.memref_squeeze %dma_wait3A_283 : memref<1x2x4096xf32, #tpu.memory_space<hbm>> -> memref<2x4096xf32, #tpu.memory_space<hbm>>
    %dma_wait3A_285 = arith.constant 0 : i32
    %dma_wait3A_286 = tpu.memref_slice %arg3[%select_n3A, %add3A_282, %dma_wait3A_285] : memref<4x1024x4096xf32, #tpu.memory_space<hbm>> -> memref<1x2x4096xf32, #tpu.memory_space<hbm>>
    %dma_wait3A_287 = tpu.memref_squeeze %dma_wait3A_286 : memref<1x2x4096xf32, #tpu.memory_space<hbm>> -> memref<2x4096xf32, #tpu.memory_space<hbm>>
    tpu.wait_dma2 semaphore(%arg17 : memref<!tpu.dma_semaphore, #tpu.memory_space<semaphore_mem>>) src(%arg9 : memref<2x4096xf32, #tpu.memory_space<vmem>>) dst(%dma_wait3A_287 : memref<2x4096xf32, #tpu.memory_space<hbm>>)
    %add3A_288 = arith.constant 122 : i32
    %add3A_289 = arith.addi %mul3A_32, %add3A_288 : i32
    %dma_wait3A_290 = arith.constant 0 : i32
    %dma_wait3A_291 = tpu.memref_slice %arg3[%select_n3A, %add3A_289, %dma_wait3A_290] : memref<4x1024x4096xf32, #tpu.memory_space<hbm>> -> memref<1x2x4096xf32, #tpu.memory_space<hbm>>
    %dma_wait3A_292 = tpu.memref_squeeze %dma_wait3A_291 : memref<1x2x4096xf32, #tpu.memory_space<hbm>> -> memref<2x4096xf32, #tpu.memory_space<hbm>>
    %dma_wait3A_293 = arith.constant 0 : i32
    %dma_wait3A_294 = tpu.memref_slice %arg3[%select_n3A, %add3A_289, %dma_wait3A_293] : memref<4x1024x4096xf32, #tpu.memory_space<hbm>> -> memref<1x2x4096xf32, #tpu.memory_space<hbm>>
    %dma_wait3A_295 = tpu.memref_squeeze %dma_wait3A_294 : memref<1x2x4096xf32, #tpu.memory_space<hbm>> -> memref<2x4096xf32, #tpu.memory_space<hbm>>
    tpu.wait_dma2 semaphore(%arg18 : memref<!tpu.dma_semaphore, #tpu.memory_space<semaphore_mem>>) src(%arg10 : memref<2x4096xf32, #tpu.memory_space<vmem>>) dst(%dma_wait3A_295 : memref<2x4096xf32, #tpu.memory_space<hbm>>)
    %add3A_296 = arith.constant 124 : i32
    %add3A_297 = arith.addi %mul3A_32, %add3A_296 : i32
    %dma_wait3A_298 = arith.constant 0 : i32
    %dma_wait3A_299 = tpu.memref_slice %arg3[%select_n3A, %add3A_297, %dma_wait3A_298] : memref<4x1024x4096xf32, #tpu.memory_space<hbm>> -> memref<1x2x4096xf32, #tpu.memory_space<hbm>>
    %dma_wait3A_300 = tpu.memref_squeeze %dma_wait3A_299 : memref<1x2x4096xf32, #tpu.memory_space<hbm>> -> memref<2x4096xf32, #tpu.memory_space<hbm>>
    %dma_wait3A_301 = arith.constant 0 : i32
    %dma_wait3A_302 = tpu.memref_slice %arg3[%select_n3A, %add3A_297, %dma_wait3A_301] : memref<4x1024x4096xf32, #tpu.memory_space<hbm>> -> memref<1x2x4096xf32, #tpu.memory_space<hbm>>
    %dma_wait3A_303 = tpu.memref_squeeze %dma_wait3A_302 : memref<1x2x4096xf32, #tpu.memory_space<hbm>> -> memref<2x4096xf32, #tpu.memory_space<hbm>>
    tpu.wait_dma2 semaphore(%arg19 : memref<!tpu.dma_semaphore, #tpu.memory_space<semaphore_mem>>) src(%arg11 : memref<2x4096xf32, #tpu.memory_space<vmem>>) dst(%dma_wait3A_303 : memref<2x4096xf32, #tpu.memory_space<hbm>>)
    %add3A_304 = arith.constant 126 : i32
    %add3A_305 = arith.addi %mul3A_32, %add3A_304 : i32
    %dma_wait3A_306 = arith.constant 0 : i32
    %dma_wait3A_307 = tpu.memref_slice %arg3[%select_n3A, %add3A_305, %dma_wait3A_306] : memref<4x1024x4096xf32, #tpu.memory_space<hbm>> -> memref<1x2x4096xf32, #tpu.memory_space<hbm>>
    %dma_wait3A_308 = tpu.memref_squeeze %dma_wait3A_307 : memref<1x2x4096xf32, #tpu.memory_space<hbm>> -> memref<2x4096xf32, #tpu.memory_space<hbm>>
    %dma_wait3A_309 = arith.constant 0 : i32
    %dma_wait3A_310 = tpu.memref_slice %arg3[%select_n3A, %add3A_305, %dma_wait3A_309] : memref<4x1024x4096xf32, #tpu.memory_space<hbm>> -> memref<1x2x4096xf32, #tpu.memory_space<hbm>>
    %dma_wait3A_311 = tpu.memref_squeeze %dma_wait3A_310 : memref<1x2x4096xf32, #tpu.memory_space<hbm>> -> memref<2x4096xf32, #tpu.memory_space<hbm>>
    tpu.wait_dma2 semaphore(%arg20 : memref<!tpu.dma_semaphore, #tpu.memory_space<semaphore_mem>>) src(%arg12 : memref<2x4096xf32, #tpu.memory_space<vmem>>) dst(%dma_wait3A_311 : memref<2x4096xf32, #tpu.memory_space<hbm>>)
    return
  }
}

</mosaic_0001>

<sc_bundles>
// kernel: kernel.3.cloned.1.call-start
scs
__scs_entry_jumppad:
0x0: {  	(pc) =	sbr.rel $0x88, $3  }
0x1: {  	(tag) =	ssettag $0x0;
	lr =	simm.s32 $0x1  }
0x2: {  	[smem:$0x3FA0] =	sst lr;
	_ =	strace $0xD0000000  }
0x3: {  	_ = 	snop  }
0x4: {  	_ = 	snop  }
0x5: {  	_ = 	snop  }
0x6: {  	_ = 	snop  }
0x7: {  	_ = 	snop  }
__scs_overlays_trampoline_lowered:
0x8: {  	[smem:$0x3FAF] =	sst s0  }
0x9: {  	[smem:$0x3FB0] =	sst s1  }
0xa: {  	[smem:$0x3FB1] =	sst s2  }
0xb: {  	[smem:$0x3FB2] =	sst s3  }
0xc: {  	[smem:$0x3FB3] =	sst s4  }
0xd: {  	[smem:$0x3FB4] =	sst s5  }
0xe: {  	[smem:$0x3FB5] =	sst s6  }
0xf: {  	[smem:$0x3FB6] =	sst s7  }
0x10: {  	[smem:$0x3FB7] =	sst s8  }
0x11: {  	[smem:$0x3FB8] =	sst s9;
	s0 =	simm.s32 @!p0 $0x0  }
0x12: {  	s1 =	sld [smem:$0x3F9E];
	s0 =	simm.s32 @p0 $0x1  }
0x13: {  	[smem:$0x3FB9] =	sst s0;
	s0 =	simm.s32 @!p1 $0x0  }
0x14: {  	s2 =	sld [smem:$0x3F9D];
	s0 =	simm.s32 @p1 $0x1  }
0x15: {  	[smem:$0x3FBA] =	sst s0;
	s0 =	simm.s32 @!p2 $0x0  }
0x16: {  	s3 =	sld [smem:$0x3FDB];
	s0 =	simm.s32 @p2 $0x1  }
0x17: {  	s4 =	simm.s32 $0x1BF5;
	[smem:$0x3FBC] =	sst s0  }
0x18: {  	s0 =	sld [smem:$0x3F9F];
	_ =	swait.ge [sflag:s4], $0x0  }
0x19: {  	s7 =	sld [smem:$0x3FA0]  }
0x1a: {  	s8 =	sadd.s32 $0xFFFFE003, lr  }
0x1b: {  	s9 =	sadd.s32 $0xFFFFFEF7, lr;
	s5 =	simm.s32 $0xFFFFFFFF;
	p2 =	slt.u32 s8, $0xFFFFF086  }
0x1c: {  	p1 =	slt.u32 s9, $0xF7A;
	s5 =	simm.s32 @!p2 $0x0  }
0x1d: {  	s5 =	simm.s32 @p1 $0x1;
	p0 =	seq.s32 s7, s2  }
0x1e: {  	s7 =	smul.u32 @!p0 $0xF7A, s2;
	p2 =	seq.s32 @!p0 s5, $0x0  }
0x1f: {  	s9 =	smul.u32 $0xF7A, s1;
	s8 =	simm.s32 @!p0 $0x1BF5;
	p2 =	por !p2, p0  }
0x20: {  	[sflag:s8] =	ssyncset.s32 @!p0 $0xFFFFF086;
	s6 =	sadd.s32 @!p0 s3, s7;
	s7 =	simm.s32 @!p0 $0x108  }
0x21: {  	s3 =	sadd.s32 s3, s9;
	s6 =	sadd.s32 @!p0 $0x88, s6;
	s7 =	simm.s32 @p2 $0x1082  }
0x22: {  	[simem:s7], [sflag:s8] =	dma.local @!p0 [hbm:s6], $0xF7A  }
0x23: {  	s9 =	sor.u32 $0xD0000000, s2;
	s6 =	simm.s32 $0x108;
	_ =	swait.ge @!p0 [sflag:s8], $0x0  }
0x24: {  	s3 =	sadd.s32 $0x88, s3;
	s6 =	simm.s32 @!p1 $0x1082;
	[sflag:s4] =	ssyncset.s32 $0xFFFFF086  }
0x25: {  	[simem:s6], [sflag:s4] =	dma.local [hbm:s3], $0xF7A  }
0x26: {  	[smem:$0x3FA0] =	sst s1;
	(tag) =	ssettag s2;
	_ =	strace s9  }
0x27: {  	s1 =	sld [smem:$0x3FB0]  }
0x28: {  	s2 =	sld [smem:$0x3FB1]  }
0x29: {  	s4 =	sld [smem:$0x3FB3]  }
0x2a: {  	p0 =	seq.s32 s5, $0x0;
	s5 =	sld [smem:$0x3FB4]  }
0x2b: {  	s6 =	sld [smem:$0x3FB5]  }
0x2c: {  	s7 =	sld [smem:$0x3FB6]  }
0x2d: {  	s3 =	simm.s32 $0x108;
	s8 =	sld [smem:$0x3FB7]  }
0x2e: {  	s3 =	simm.s32 @!p0 $0x1082;
	s9 =	sld [smem:$0x3FB8]  }
0x2f: {  	lr =	sadd.s32 s0, s3;
	s0 =	sld [smem:$0x3FAF]  }
0x30: {  	s3 =	sld [smem:$0x3FB2]  }
0x31: {  	[smem:$0x3FBB] =	sst s10  }
0x32: {  	s10 =	sld [smem:$0x3FB9];
	_ =	sdelay $0x3  }
0x33: {  	p0 =	seq.s32 s10, $0x1;
	s10 =	sld [smem:$0x3FBB];
	_ =	sdelay $0x3  }
0x34: {  	[smem:$0x3FBB] =	sst s10  }
0x35: {  	s10 =	sld [smem:$0x3FBA];
	_ =	sdelay $0x3  }
0x36: {  	p1 =	seq.s32 s10, $0x1;
	s10 =	sld [smem:$0x3FBB];
	_ =	sdelay $0x3  }
0x37: {  	[smem:$0x3FBB] =	sst s10  }
0x38: {  	s10 =	sld [smem:$0x3FBC]  }
0x39: {  	_ = 	snop;
	(pc) =	sbr.ind lr, $3  }
0x3a: {  	_ = 	snop  }
0x3b: {  	_ = 	snop  }
0x3c: {  	p2 =	seq.s32 s10, $0x1;
	s10 =	sld [smem:$0x3FBB]  }
0x3d: {  	_ =	shalt  }
0x3e: {  	_ =	shalt  }
0x3f: {  	_ =	shalt  }
0x40: {  	_ =	shalt  }
0x41: {  	_ =	shalt  }
0x42: {  	_ =	shalt  }
0x43: {  	_ =	shalt  }
0x44: {  	_ =	shalt  }
0x45: {  	_ =	shalt  }
0x46: {  	_ =	shalt  }
0x47: {  	_ =	shalt  }
0x48: {  	_ =	shalt  }
0x49: {  	_ =	shalt  }
0x4a: {  	_ =	shalt  }
0x4b: {  	_ =	shalt  }
0x4c: {  	_ =	shalt  }
0x4d: {  	_ =	shalt  }
0x4e: {  	_ =	shalt  }
0x4f: {  	_ =	shalt  }
0x50: {  	_ =	shalt  }
0x51: {  	_ =	shalt  }
0x52: {  	_ =	shalt  }
0x53: {  	_ =	shalt  }
0x54: {  	_ =	shalt  }
0x55: {  	_ =	shalt  }
0x56: {  	_ =	shalt  }
0x57: {  	_ =	shalt  }
0x58: {  	_ =	shalt  }
0x59: {  	_ =	shalt  }
0x5a: {  	_ =	shalt  }
0x5b: {  	_ =	shalt  }
0x5c: {  	_ =	shalt  }
0x5d: {  	_ =	shalt  }
0x5e: {  	_ =	shalt  }
0x5f: {  	_ =	shalt  }
0x60: {  	_ =	shalt  }
0x61: {  	_ =	shalt  }
0x62: {  	_ =	shalt  }
0x63: {  	_ =	shalt  }
0x64: {  	_ =	shalt  }
0x65: {  	_ =	shalt  }
0x66: {  	_ =	shalt  }
0x67: {  	_ =	shalt  }
0x68: {  	_ =	shalt  }
0x69: {  	_ =	shalt  }
0x6a: {  	_ =	shalt  }
0x6b: {  	_ =	shalt  }
0x6c: {  	_ =	shalt  }
0x6d: {  	_ =	shalt  }
0x6e: {  	_ =	shalt  }
0x6f: {  	_ =	shalt  }
0x70: {  	_ =	shalt  }
0x71: {  	_ =	shalt  }
0x72: {  	_ =	shalt  }
0x73: {  	_ =	shalt  }
0x74: {  	_ =	shalt  }
0x75: {  	_ =	shalt  }
0x76: {  	_ =	shalt  }
0x77: {  	_ =	shalt  }
0x78: {  	_ =	shalt  }
0x79: {  	_ =	shalt  }
0x7a: {  	_ =	shalt  }
0x7b: {  	_ =	shalt  }
0x7c: {  	_ =	shalt  }
0x7d: {  	_ =	shalt  }
0x7e: {  	_ =	shalt  }
0x7f: {  	_ =	shalt  }
0x80: {  	_ =	shalt  }
0x81: {  	_ =	shalt  }
0x82: {  	_ =	shalt  }
0x83: {  	_ =	shalt  }
0x84: {  	_ =	shalt  }
0x85: {  	_ =	shalt  }
0x86: {  	_ =	shalt  }
0x87: {  	_ =	shalt  }
.Lfunc_end0:
.L_simem_size_0:
called_computation_lowered:
.L_overlay_start_0:
0x88: {  	s2 =	sld [smem:$0x3FD9]  }
0x89: {  	s3 =	sld [smem:$0x3FFE];
	_ =	sdelay $0x1  }
0x8a: {  	s1 =	srdreg.scid  }
0x8b: {  	s0 =	sand.u32 $0x1, s1  }
0x8c: {  	s18 =	sshll.u32 s0, $0xA;
	s2 =	sadd.s32 s3, s2  }
0x8d: {  	s2 =	sadd.s32 s2, s18  }
0x8e: {  	[smem:$0x3FC7] =	sst s2  }
0x8f: {  	_ = 	snop  }
0x90: {  	s2 =	sld [smem:$0x3FC9]  }
0x91: {  	s19 =	sld [smem:$0x3FD0];
	(tm) =	ssettm $0x1  }
0x92: {  	s4 =	sld [smem:$0x3FFB];
	_ =	sdelay $0x3  }
0x93: {  	_ =	strace s4  }
0x94: {  	s4 =	sld [smem:$0x3FFC];
	_ =	sdelay $0x3  }
0x95: {  	_ =	strace s4  }
0x96: {  	s4 =	sld [smem:$0x3FFD];
	_ =	sdelay $0x3  }
0x97: {  	_ =	strace s4  }
0x98: {  	_ =	strace $0x8FFFFFFF  }
0x99: {  	s20 =	sld [smem:$0x3FDB];
	_ =	sdelay $0x1  }
0x9a: {  	s5 =	simm.s32 $_scs_section_size  }
0x9b: {  	s6 =	simm.s32 $_size__tile_overlayer_lowered;
	s7 =	simm.s32 $_tile_overlayer_lowered  }
0x9c: {  	s23 =	simm.s32 $0x1BFF;
	s22 =	sshll.u32 s7, $0x1;
	s4 =	sadd.s32 s5, s20  }
0x9d: {  	s8 =	simm.s32 $0x0;
	s21 =	sshll.u32 s6, $0x1;
	s6 =	sadd.s32 s22, s4  }
0x9e: {  	[timem:s8], [sflag:s23] =	dma.local [hbm:s6], s21  }
0x9f: {  	_ =	swait.ge [sflag:s23], s21  }
0xa0: {  	s5 =	ssub.s32 $0x0, s21;
	[sflag:s23] =	ssyncset.done $0x0  }
0xa1: {  	[sflag:s23] =	ssyncadd.s32 s5;
	_ =	sdelay $0x1  }
0xa2: {  	s24 =	simm.s32 $0x1B8B  }
0xa3: {  	_ =	swait.ge [sflag:s24], $0x1  }
0xa4: {  	[sflag:s24] =	ssyncset.done $0x0  }
0xa5: {  	s25 =	simm.s32 $0x1B8E;
	[sflag:s24] =	ssyncadd.s32 $0xFFFFFFFF  }
0xa6: {  	s26 =	simm.s32 $execute0_lowered;
	[smem:$0x3FD2] =	sst s25  }
0xa7: {  	s5 =	sshll.u32 s26, $0x1;
	_ =	strace $0x80000046;
	[dreg:$0x1] =	wrdreg $0xFFFFFFFF  }
0xa8: {  	s28 =	simm.s32 $_size_execute0_lowered;
	s4 =	sadd.s32 s4, s5;
	[dreg:$0x0] =	wrdreg $0x0  }
0xa9: {  	s5 =	sshll.u32 s28, $0x1;
	[dreg:$0x2] =	wrdreg s4  }
0xaa: {  	[dreg:$0x3] =	wrdreg s5  }
0xab: {  	[dreg:$0x4] =	wrdreg $0xC0  }
0xac: {  	_ =	task [dreg:s8], $0x5FFFF  }
0xad: {  	[dreg:$0x1] =	wrdreg $0xFFFFFFFF  }
0xae: {  	[dreg:$0x0] =	wrdreg $0x60  }
0xaf: {  	[dreg:$0x2] =	wrdreg s2  }
0xb0: {  	[dreg:$0x3] =	wrdreg s19  }
0xb1: {  	[dreg:$0x4] =	wrdreg $0x9  }
0xb2: {  	_ =	task.clear_ibuf [dreg:s8], $0x5FFFF;
	_ =	strace $0x90000046  }
0xb3: {  	s29 =	simm.s32 $0x9;
	_ =	strace $0x80000048  }
0xb4: {  	_ =	swait.ge [sflag:s29], $0x1  }
0xb5: {  	[sflag:s29] =	ssyncadd.s32 $0xFFFFFFFF  }
0xb6: {  	_ =	strace $0x90000048  }
0xb7: {  	_ =	sfence  }
0xb8: {  	s30 =	sld [smem:$0x0];
	_ =	sdelay $0x2  }
0xb9: {  	s31 =	sshll.u32 s1, $0xD;
	s1 =	sshrl.u32 s1, $0x2  }
0xba: {  	s3 =	sand.u32 $0x4000, s31;
	s1 =	sadd.s32 s1, s30  }
0xbb: {  	s0 =	sor.u32 s3, s0;
	s1 =	sshll.u32 s1, $0x11  }
0xbc: {  	s0 =	sor.u32 s1, s0  }
0xbd: {  	s0 =	sadd.s32 $0x8F2B, s0  }
0xbe: {  	[sflag:s0] =	ssyncadd.remote.s32 $0x1  }
0xbf: {  	_ =	sfence.sel $0xFFFF  }
0xc0: {  	[dreg:$0x0] =	wrdreg $0xFFFFFFFF;
	(pc) =	sbr.abs _section_cstart, $3  }
0xc1: {  	[dreg:$0x1] =	wrdreg $0xFFFFFFFF  }
0xc2: {  	_ =	task.clear_ibuf [dreg:s8], $0x2FFFF;
	_ =	strace $0x9FFFFFFF  }
0xc3: {  	(tm) =	ssettm $0x7FFFFFFF  }
tec
execute0_lowered:
.L_overlay_start_1:
0x0: {  	(tag) =	ssettag $0x1  }
0x1: {  	s2 =	stileid.u32  }
0x2: {  	s0 =	srdreg.scid;
	s3 =	rddreg [dreg:$0x0]  }
0x3: {  	s4 =	rddreg [dreg:$0x1];
	s5 =	simm.s32 $0x0;
	s18 =	simm.s32 $0x100  }
0x4: {  	s19 =	simm.s32 $0x400;
	s20 =	simm.s32 $0x1000;
	s21 =	simm.s32 $0x3000  }
0x5: {  	s30 =	simm.s32 $0x3;
	s17 =	simm.s32 $0x0;
	s1 =	sshll.u32 s2, $0x1  }
0x6: {  	s0 =	sand.u32 $0x1, s0;
	s2 =	sshll.u32 s2, $0x14;
	[smem:$0x7FF] =	sst s5  }
0x7: {  	s24 =	sadd.s32 $0x20, s3;
	s7 =	sadd.s32 $0x40, s3;
	s28 =	sadd.s32 $0x20, s4  }
0x8: {  	s29 =	sadd.s32 $0x40, s4;
	_ =	strace $0x80000047;
	[dreg:$0x5] =	wrdreg s24  }
0x9: {  	v0 =	vlaneseq.u32;
	s31 =	sadd.s32 $0x60, s4;
	s1 =	sand.u32 $0x6, s1;
	[dreg:$0x6] =	wrdreg s7  }
0xa: {  	v18 =	vmul.u32 $0x19, v0;
	s2 =	sand.u32 $0xC00000, s2;
	[dreg:$0xb] =	wrdreg s28;
	s1 =	sor.u32 s0, s1  }
0xb: {  	v1 =	vadd.s32 $0x25, v0;
	v3 =	vadd.s32 $0x35, v0;
	v5 =	vadd.s32 $0x45, v0;
	[dreg:$0xc] =	wrdreg s29;
	s0 =	ssub.s32 $0x2, s0;
	s1 =	sshll.u32 s1, $0x13  }
0xc: {  	v7 =	vadd.s32 $0x55, v0;
	v9 =	vadd.s32 $0x65, v0;
	v11 =	vadd.s32 $0x75, v0;
	[dreg:$0xd] =	wrdreg s31;
	s22 =	sshrl.u32 s0, $0x1;
	s6 =	sor.u32 s2, s1  }
0xd: {  	v13 =	vadd.s32 $0x85, v0;
	v15 =	vadd.s32 $0x95, v0;
	v17 =	vadd.s32 $0xA5, v0;
	s0 =	ssub.s32 s0, s22;
	s22 =	simm.s32 $0x5000;
	s2 =	sshrl.u32 s6, $0x3  }
0xe: {  	v22 =	vmul.u32 $0x7D, v0;
	v19 =	vadd.s32 $0xB, v0;
	v24 =	vmul.u32 $0x271, v0;
	[dreg:$0x3] =	wrdreg s6;
	s13 =	sor.u32 $0x8000, s6;
	s0 =	smax.u32 s0, $0x1  }
0xf: {  	v21 =	vadd.s32 $0x1B, v0;
	v26 =	vmul.u32 $0xC35, v0;
	v23 =	vadd.s32 $0x6, v0;
	s6 =	simm.s32 $0x8;
	s23 =	sadd.s32 s3, s2;
	[dreg:$0xe] =	wrdreg s0  }
.Ltmp0:
0x10: {  	v25 =	vadd.s32 $0x5, v0;
	v27 =	vadd.s32 $0x4, v0;
	v2 =	vadd.s32 $0x33D, v18;
	s1 =	sadd.s32 s2, s24;
	[dreg:$0x4] =	wrdreg s23;
	(pc) =	sbr.rel .LBB2_1-.Ltmp0, $4  }
0x11: {  	v4 =	vadd.s32 $0x4CD, v18;
	v6 =	vadd.s32 $0x65D, v18;
	v8 =	vadd.s32 $0x7ED, v18;
	s3 =	sadd.s32 $0x60, s3;
	s25 =	sadd.s32 s2, s7;
	[dreg:$0x8] =	wrdreg s1  }
0x12: {  	v10 =	vadd.s32 $0x97D, v18;
	v12 =	vadd.s32 $0xB0D, v18;
	v14 =	vadd.s32 $0xC9D, v18;
	s24 =	simm.s32 $0x1;
	s0 =	simm.s32 $0x4;
	[dreg:$0x9] =	wrdreg s25  }
0x13: {  	v16 =	vadd.s32 $0xE2D, v18;
	v18 =	vadd.s32 $0xFBD, v18;
	v20 =	vadd.s32 $0x36F, v22;
	[dreg:$0x7] =	wrdreg s3;
	s26 =	sadd.s32 s2, s3;
	s23 =	simm.s32 $0x7000  }
0x14: {  	v22 =	vadd.s32 $0xB3F, v22;
	v24 =	vadd.s32 $0x4E6, v24;
	v26 =	vadd.s32 $0xC39, v26;
	s2 =	simm.s32 $0x0;
	[dreg:$0xa] =	wrdreg s26;
	s26 =	simm.s32 $0x2  }
.LBB2_30:
0x15: {  	s1 =	simm.s32 $0x5  }
0x16: {  	_ =	swait.ge [sflag:s1], $0x2000  }
0x17: {  	[sflag:s1] =	ssyncset.done $0x0  }
0x18: {  	s28 =	simm.s32 $0x6;
	[sflag:s1] =	ssyncadd.s32 $0xFFFFE000  }
0x19: {  	_ =	swait.ge [sflag:s28], $0x2000  }
0x1a: {  	[sflag:s28] =	ssyncset.done $0x0  }
0x1b: {  	s29 =	simm.s32 $0x7;
	[sflag:s28] =	ssyncadd.s32 $0xFFFFE000  }
0x1c: {  	_ =	swait.ge [sflag:s29], $0x2000  }
0x1d: {  	[sflag:s29] =	ssyncset.done $0x0  }
0x1e: {  	[sflag:s29] =	ssyncadd.s32 $0xFFFFE000  }
0x1f: {  	_ =	swait.ge [sflag:s6], $0x2000  }
0x20: {  	s2 =	rddreg [dreg:$0xf]  }
0x21: {  	s31 =	rddreg [dreg:$0xe];
	s2 =	sadd.s32 $0x1, s2  }
0x22: {  	p0 =	sne.s32 s2, s31  }
.Ltmp1:
0x23: {  	_ = 	snop;
	(pc) =	sbr.rel @!p0 .LBB2_31-.Ltmp1, $3  }
0x24: {  	_ =	sdelay $0x1  }
0x25: {  	[sflag:s6] =	ssyncset.done $0x0  }
0x26: {  	s5 =	simm.s32 $0x0;
	[sflag:s6] =	ssyncadd.s32 $0xFFFFE000  }
.LBB2_1:
0x27: {  	s1 =	rddreg [dreg:$0x4]  }
0x28: {  	[tilespmem:s20], [sflag:$0x1] =	stream.strided.gather [hbm4b:s1+s18], $0x2000, s19, s18, $0x38;
	[tilespmem:$0x11000] =	vst v63  }
0x29: {  	s28 =	rddreg [dreg:$0x8]  }
0x2a: {  	[tilespmem:s21], [sflag:$0x2] =	stream.strided.gather [hbm4b:s28+s18], $0x2000, s19, s18, $0x38;
	[tilespmem:$0x11000] =	vst v63  }
0x2b: {  	s29 =	rddreg [dreg:$0x9]  }
0x2c: {  	[tilespmem:s22], [sflag:$0x3] =	stream.strided.gather [hbm4b:s29+s18], $0x2000, s19, s18, $0x38;
	[tilespmem:$0x11000] =	vst v63  }
0x2d: {  	s31 =	rddreg [dreg:$0xa]  }
0x2e: {  	v28 =	vor.u32 s5, v0;
	[tilespmem:s23], [sflag:$0x4] =	stream.strided.gather [hbm4b:s31+s18], $0x2000, s19, s18, $0x38;
	[tilespmem:$0x11000] =	vst v63  }
0x2f: {  	[dreg:$0xf] =	wrdreg s2;
	s2 =	simm.s32 $0x0;
	s1 =	simm.s32 $0x10;
	[tilespmem:s5+$0x0] =	vst v28  }
.LBB2_2:
0x30: {  	p0 =	sne.s32 s1, $0xFF0  }
.Ltmp2:
0x31: {  	_ = 	snop;
	(pc) =	sbr.rel @p0 .LBB2_2-.Ltmp2, $3  }
0x32: {  	_ =	sdelay $0x1  }
0x33: {  	v28 =	vor.u32 s1, v0;
	s1 =	sadd.s32 $0x10, s1;
	s2 =	sadd.s32 $0x10, s2  }
0x34: {  	[tilespmem:s2+$0x0] =	vst v28  }
0x35: {  	_ =	sdelay $0x3  }
0x36: {  	[tilespmem:v1+s5+$0x0] =	vst.idx.msk $0xffff, v2  }
0x37: {  	[tilespmem:v3+s5+$0x0] =	vst.idx.msk $0xffff, v4  }
0x38: {  	[tilespmem:v5+s5+$0x0] =	vst.idx.msk $0xffff, v6  }
0x39: {  	[tilespmem:v7+s5+$0x0] =	vst.idx.msk $0xffff, v8  }
0x3a: {  	[tilespmem:v9+s5+$0x0] =	vst.idx.msk $0xffff, v10  }
0x3b: {  	[tilespmem:v11+s5+$0x0] =	vst.idx.msk $0xffff, v12  }
0x3c: {  	[tilespmem:v13+s5+$0x0] =	vst.idx.msk $0xffff, v14  }
0x3d: {  	[tilespmem:v15+s5+$0x0] =	vst.idx.msk $0xffff, v16  }
0x3e: {  	[tilespmem:v17+s5+$0x0] =	vst.idx.msk $0x7, v18  }
0x3f: {  	[tilespmem:v19+s5+$0x0] =	vst.idx.msk $0xffff, v20  }
0x40: {  	[tilespmem:v21+s5+$0x0] =	vst.idx.msk $0x3ff, v22  }
0x41: {  	[tilespmem:v23+s5+$0x0] =	vst.idx.msk $0x1f, v24  }
0x42: {  	s1 =	simm.s32 $0xA4;
	[tilespmem:v25+s5+$0x0] =	vst.idx.msk $0x1, v26  }
.LBB2_4:
0x43: {  	v28 =	vadd.s32 s1, v0  }
0x44: {  	vm0 =	vlt.u32 v28, $0x332  }
0x45: {  	v29 =	vadd.s32 s1, v27;
	p0 =	sne.s32 s1, $0x324  }
.Ltmp3:
0x46: {  	_ = 	snop;
	(pc) =	sbr.rel @p0 .LBB2_4-.Ltmp3, $3  }
0x47: {  	v28 =	vmul.u32 $0x5, v28;
	_ =	sdelay $0x1  }
0x48: {  	v28 =	vadd.s32 $0x4, v28  }
0x49: {  	s1 =	sadd.s32 $0x10, s1;
	[tilespmem:v29+s5+$0x0] =	vst.idx.msk vm0, v28  }
0x4a: {  	s1 =	simm.s32 $0x1  }
0x4b: {  	v28 =	vadd.s32 s1, v0  }
0x4c: {  	v29 =	vmul.u32 $0x5, v28;
	_ =	sdelay $0x1  }
0x4d: {  	s2 =	simm.s32 $0x11;
	vm0 =	vlt.u32 v28, $0x332;
	v28 =	vadd.s32 $0x4, v29  }
.LBB2_6:
0x4e: {  	p0 =	sne.s32 s2, $0x331  }
.Ltmp4:
0x4f: {  	_ = 	snop;
	(pc) =	sbr.rel @p0 .LBB2_6-.Ltmp4, $4  }
0x50: {  	v29 =	vadd.s32 s2, v0  }
0x51: {  	v30 =	vmul.u32 $0x5, v29  }
0x52: {  	s3 =	smov.u32 s2;
	v31 =	vadd.s32 s1, v27  }
0x53: {  	s2 =	sadd.s32 $0x10, s2;
	s1 =	smov.u32 s3;
	[tilespmem:v28+s17+$0x0] =	vst.idx.msk vm0, v31;
	vm0 =	vlt.u32 v29, $0x332;
	v28 =	vadd.s32 $0x4, v30  }
0x54: {  	_ =	sdelay $0x3  }
0x55: {  	v29 =	vadd.s32 s1, v27  }
0x56: {  	s11 =	simm.s32 $0x0;
	[tilespmem:v28+s17+$0x0] =	vst.idx.msk vm0, v29  }
.LBB2_8:
0x57: {  	_ =	swait.ge [sflag:s24], $0x2000  }
0x58: {  	p0 =	seq.s32 s11, $0x0;
	[sflag:s24] =	ssyncset.done $0x0  }
0x59: {  	s1 =	simm.s32 @!p0 $0x5;
	[sflag:s24] =	ssyncadd.s32 $0xFFFFE000  }
0x5a: {  	s5 =	sand.u32 $0x60, s17;
	_ =	swait.ge @!p0 [sflag:s1], $0x2000  }
0x5b: {  	s2 =	sand.u32 $0xF80, s17;
	s4 =	sor.u32 $0x10, s5;
	[sflag:s1] =	ssyncset.done @!p0 $0x0  }
0x5c: {  	s14 =	sor.u32 s4, s2;
	[sflag:s1] =	ssyncadd.s32 @!p0 $0xFFFFE000  }
0x5d: {  	v28 =	vld [tilespmem:s14+$0x0];
	_ =	sdelay $0x1  }
0x5e: {  	s15 =	simm.s32 $0x20;
	v29 =	vld [tilespmem:s17+$0x0]  }
0x5f: {  	s3 =	sand.u32 $0x60, s15  }
0x60: {  	s16 =	sand.u32 $0xF80, s15;
	s10 =	sor.u32 $0x10, s3  }
0x61: {  	s25 =	sor.u32 s10, s16;
	v30 =	vld [tilespmem:s15+$0x0];
	v31 =	vshll.u32 v28, $0x1  }
0x62: {  	v32 =	vld [tilespmem:s25+$0x0];
	v28 =	vand.u32 $0x7F, v28;
	v31 =	vand.u32 $0xFFFFFF00, v31  }
0x63: {  	s28 =	simm.s32 $0x40;
	v31 =	vor.u32 v28, v31;
	v28 =	vshll.u32 v29, $0x1  }
0x64: {  	s2 =	sand.u32 $0x60, s28;
	v29 =	vand.u32 $0x7F, v29;
	v28 =	vand.u32 $0xFFFFFF00, v28  }
0x65: {  	s8 =	sand.u32 $0xF80, s28;
	s7 =	sor.u32 $0x10, s2;
	v29 =	vor.u32 v29, v28  }
0x66: {  	s8 =	sor.u32 s7, s8;
	v36 =	vld [tilespmem:s28+$0x0];
	v28 =	vshll.u32 v30, $0x1  }
0x67: {  	v62 =	vld [tilespmem:s8+$0x0];
	v33 =	vshll.u32 v32, $0x1;
	v30 =	vand.u32 $0x7F, v30;
	v28 =	vand.u32 $0xFFFFFF00, v28  }
0x68: {  	s9 =	simm.s32 $0x60;
	v61 =	vand.u32 $0xFFFFFF00, v33;
	v28 =	vor.u32 v30, v28;
	v30 =	vand.u32 $0x7F, v32;
	v34 =	vld.idx.msk [tilespmem:v31+s20+$0x0], $0xffff  }
0x69: {  	s8 =	sand.u32 $0x60, s9;
	v39 =	vor.u32 v30, v61  }
0x6a: {  	s31 =	sand.u32 $0x1F00, s17;
	s14 =	sand.u32 $0xF80, s9;
	s29 =	sor.u32 $0x10, s8;
	v30 =	vor.u32 $0x80, v31;
	v31 =	vld.idx.msk [tilespmem:v29+s20+$0x0], $0xffff  }
0x6b: {  	s1 =	sadd.s32 $0x9000, s31;
	v35 =	vld [tilespmem:s9+$0x0];
	s14 =	sor.u32 s29, s14;
	v37 =	vshll.u32 v36, $0x1;
	v40 =	vor.u32 $0x80, v29  }
0x6c: {  	s4 =	sor.u32 s4, s1;
	v63 =	vshll.u32 v62, $0x1;
	v41 =	vand.u32 $0xFFFFFF00, v37;
	v37 =	vld [tilespmem:s14+$0x0]  }
0x6d: {  	s1 =	sor.u32 s5, s1;
	s5 =	simm.s32 $0x40;
	v29 =	vld.idx.msk [tilespmem:v28+s20+$0x0], $0xffff;
	[tilespmem:s4+$0x0] =	vst v34;
	v34 =	vand.u32 $0xFFFFFF00, v63  }
0x6e: {  	s16 =	sand.u32 $0x1F00, s5;
	v33 =	vand.u32 $0x7F, v62;
	v32 =	vld.idx.msk [tilespmem:v39+s20+$0x0], $0xffff  }
0x6f: {  	s12 =	sshll.u32 s11, $0xF;
	s16 =	sadd.s32 $0x9000, s16;
	v36 =	vand.u32 $0x7F, v36;
	v30 =	vld.idx.msk [tilespmem:v30+s20+$0x0], $0xffff;
	s15 =	rddreg [dreg:$0x3];
	v38 =	vor.u32 v33, v34;
	[tilespmem:s1+$0x0] =	vst v31  }
0x70: {  	s14 =	simm.s32 $0x6;
	v36 =	vor.u32 v36, v41;
	v33 =	vor.u32 $0x80, v39;
	s25 =	sor.u32 s12, s15;
	s15 =	simm.s32 $0x80;
	v31 =	vld.idx.msk [tilespmem:v40+s20+$0x0], $0xffff;
	v34 =	vmov v38  }
.LBB2_9:
0x71: {  	s9 =	sadd.s32 $0x20, s9;
	s28 =	sor.u32 s3, s16  }
0x72: {  	v39 =	vld [tilespmem:s15+$0x0];
	v40 =	vor.u32 $0x80, v28;
	s10 =	sor.u32 s10, s16;
	v41 =	vmov v29;
	v28 =	vmov v36;
	s3 =	smov.u32 s2;
	s14 =	sadd.s32 $0x2, s14  }
0x73: {  	v42 =	vshll.u32 v35, $0x1;
	s2 =	smov.u32 s8;
	v29 =	vld.idx.msk [tilespmem:v36+s20+$0x0], $0xffff;
	[tilespmem:s10+$0x0] =	vst v32;
	s8 =	sand.u32 $0x60, s9;
	p1 =	slt.u32 s14, $0xFE  }
.Ltmp5:
0x74: {  	v35 =	vand.u32 $0x7F, v35;
	s31 =	sand.u32 $0xF80, s9;
	v36 =	vand.u32 $0xFFFFFF00, v42;
	s16 =	sor.u32 $0x10, s8;
	v42 =	vshll.u32 v37, $0x1;
	v32 =	vld.idx.msk [tilespmem:v38+s20+$0x0], $0xffff;
	[tilespmem:s4+$0x80] =	vst v30;
	(pc) =	sbr.rel @p1 .LBB2_9-.Ltmp5, $4  }
0x75: {  	v36 =	vor.u32 v35, v36;
	v43 =	vand.u32 $0x7F, v37;
	s4 =	smov.u32 s10;
	s31 =	sor.u32 s16, s31;
	v38 =	vand.u32 $0xFFFFFF00, v42;
	[tilespmem:s28+$0x0] =	vst v41;
	v30 =	vld.idx.msk [tilespmem:v33+s20+$0x0], $0xffff  }
0x76: {  	s5 =	sadd.s32 $0x40, s5;
	s10 =	smov.u32 s7;
	v37 =	vld [tilespmem:s31+$0x0];
	v38 =	vor.u32 v43, v38;
	[tilespmem:s1+$0x80] =	vst v31;
	s1 =	smov.u32 s28  }
0x77: {  	s7 =	smov.u32 s29;
	v33 =	vor.u32 $0x80, v34;
	s29 =	smov.u32 s16;
	s28 =	sand.u32 $0x1F00, s5;
	v31 =	vld.idx.msk [tilespmem:v40+s20+$0x0], $0xffff;
	v35 =	vmov v39;
	v34 =	vmov v38  }
0x78: {  	s15 =	sadd.s32 $0x20, s15;
	s16 =	sadd.s32 $0x9000, s28  }
0x79: {  	_ = 	snop  }
0x7a: {  	v40 =	vshll.u32 v35, $0x1  }
0x7b: {  	v57 =	vand.u32 $0x7F, v35;
	v40 =	vand.u32 $0xFFFFFF00, v40;
	v39 =	vshll.u32 v37, $0x1  }
0x7c: {  	v56 =	vand.u32 $0x7F, v37;
	v35 =	vor.u32 v57, v40;
	v39 =	vand.u32 $0xFFFFFF00, v39  }
0x7d: {  	v37 =	vor.u32 v56, v39;
	_ =	sdelay $0x1  }
0x7e: {  	v28 =	vor.u32 $0x80, v28;
	s9 =	sor.u32 s10, s16;
	v38 =	vld.idx.msk [tilespmem:v38+s20+$0x0], $0xffff  }
0x7f: {  	v58 =	vld.idx.msk [tilespmem:v36+s20+$0x0], $0xffff;
	s5 =	sadd.s32 $0x40, s5;
	v59 =	vor.u32 $0x80, v34;
	s3 =	sor.u32 s3, s16;
	[tilespmem:s9+$0x0] =	vst v32  }
0x80: {  	v60 =	vor.u32 $0x80, v36;
	s15 =	sand.u32 $0x1F00, s5;
	[tilespmem:s3+$0x0] =	vst v29;
	v29 =	vld.idx.msk [tilespmem:v35+s20+$0x0], $0xffff  }
0x81: {  	[tilespmem:s4+$0x80] =	vst v30;
	s5 =	sadd.s32 $0x40, s5;
	s4 =	sadd.s32 $0x9000, s15;
	v63 =	vor.u32 $0x80, v35;
	v61 =	vld.idx.msk [tilespmem:v37+s20+$0x0], $0xffff  }
0x82: {  	v33 =	vld.idx.msk [tilespmem:v33+s20+$0x0], $0xffff;
	s5 =	sand.u32 $0x1F00, s5;
	[tilespmem:s1+$0x80] =	vst v31;
	s16 =	sor.u32 s7, s4;
	v62 =	vor.u32 $0x80, v37  }
0x83: {  	s2 =	sor.u32 s2, s4;
	s28 =	sadd.s32 $0x9000, s5;
	v28 =	vld.idx.msk [tilespmem:v28+s20+$0x0], $0xffff;
	[tilespmem:s16+$0x0] =	vst v38  }
0x84: {  	s4 =	sor.u32 s8, s28;
	[tilespmem:s2+$0x0] =	vst v58;
	v32 =	vld.idx.msk [tilespmem:v59+s20+$0x0], $0xffff  }
0x85: {  	s5 =	sor.u32 s29, s28;
	v30 =	vld.idx.msk [tilespmem:v60+s20+$0x0], $0xffff;
	[tilespmem:s4+$0x0] =	vst v29  }
0x86: {  	v31 =	vld.idx.msk [tilespmem:v63+s20+$0x0], $0xffff;
	[tilespmem:s5+$0x0] =	vst v61  }
0x87: {  	[tilespmem:s9+$0x80] =	vst v33;
	v29 =	vld.idx.msk [tilespmem:v62+s20+$0x0], $0xffff  }
0x88: {  	p1 =	sne.s32 s11, $0xF;
	[tilespmem:s3+$0x80] =	vst v28  }
.Ltmp6:
0x89: {  	[tilespmem:s16+$0x80] =	vst v32;
	(pc) =	sbr.rel @p1 .LBB2_12-.Ltmp6, $4  }
0x8a: {  	[tilespmem:s2+$0x80] =	vst v30  }
0x8b: {  	s29 =	rddreg [dreg:$0x1];
	s2 =	sshrl.u32 s25, $0x3;
	[tilespmem:s4+$0x80] =	vst v31  }
0x8c: {  	s31 =	simm.s32 $0x9000;
	s1 =	sadd.s32 s29, s2;
	[tilespmem:s5+$0x80] =	vst v29  }
0x8d: {  	[hbm4b:s1+s18] =	stream.strided.scatter [tilespmem:s31], [sflag:$0x5], $0x2000, s19, s18, $0x38;
	[tilespmem:$0x11000] =	vst v63  }
.Ltmp7:
0x8e: {  	(pc) =	sbr.rel .LBB2_13-.Ltmp7, $4  }
0x8f: {  	_ = 	snop  }
0x90: {  	_ =	swait.ge [sflag:s26], $0x2000  }
0x91: {  	[sflag:s26] =	ssyncset.done $0x0  }
0x92: {  	[sflag:s26] =	ssyncadd.s32 $0xFFFFE000  }
.LBB2_12:
0x93: {  	s1 =	sadd.s32 s12, s13  }
0x94: {  	s3 =	rddreg [dreg:$0x0];
	s1 =	sshrl.u32 s1, $0x3  }
.Ltmp8:
0x95: {  	s1 =	sadd.s32 s3, s1;
	(pc) =	sbr.rel @p0 .LBB2_14-.Ltmp8, $4  }
0x96: {  	[tilespmem:s20], [sflag:$0x1] =	stream.strided.gather [hbm4b:s1+s18], $0x2000, s19, s18, $0x38;
	[tilespmem:$0x11000] =	vst v63  }
0x97: {  	_ =	swait.ge [sflag:s26], $0x2000  }
0x98: {  	[sflag:s26] =	ssyncset.done $0x0  }
0x99: {  	[sflag:s26] =	ssyncadd.s32 $0xFFFFE000  }
.LBB2_13:
0x9a: {  	s1 =	simm.s32 $0x6  }
0x9b: {  	_ =	swait.ge [sflag:s1], $0x2000  }
0x9c: {  	[sflag:s1] =	ssyncset.done $0x0  }
0x9d: {  	[sflag:s1] =	ssyncadd.s32 $0xFFFFE000  }
.LBB2_14:
0x9e: {  	s1 =	simm.s32 $0x0  }
0x9f: {  	s5 =	sand.u32 $0x60, s1  }
0xa0: {  	s3 =	sand.u32 $0xF80, s1;
	s4 =	sor.u32 $0x10, s5  }
0xa1: {  	s3 =	sor.u32 s4, s3  }
0xa2: {  	v28 =	vld [tilespmem:s3+$0x0]  }
0xa3: {  	s25 =	simm.s32 $0x20  }
0xa4: {  	v29 =	vld [tilespmem:s1+$0x0];
	s7 =	sand.u32 $0x60, s25  }
0xa5: {  	s8 =	sand.u32 $0xF80, s25;
	s10 =	sor.u32 $0x10, s7  }
0xa6: {  	v30 =	vld [tilespmem:s25+$0x0];
	s28 =	sor.u32 s10, s8  }
0xa7: {  	v32 =	vld [tilespmem:s28+$0x0];
	v31 =	vshll.u32 v28, $0x1  }
0xa8: {  	v28 =	vand.u32 $0x7F, v28;
	v31 =	vand.u32 $0xFFFFFF00, v31  }
0xa9: {  	s9 =	simm.s32 $0x40;
	v31 =	vor.u32 v28, v31;
	v28 =	vshll.u32 v29, $0x1  }
0xaa: {  	s3 =	sand.u32 $0x60, s9;
	v29 =	vand.u32 $0x7F, v29;
	v28 =	vand.u32 $0xFFFFFF00, v28  }
0xab: {  	s14 =	sand.u32 $0xF80, s9;
	s8 =	sor.u32 $0x10, s3;
	v29 =	vor.u32 v29, v28;
	v28 =	vshll.u32 v30, $0x1  }
0xac: {  	s14 =	sor.u32 s8, s14;
	v33 =	vshll.u32 v32, $0x1;
	v30 =	vand.u32 $0x7F, v30;
	v28 =	vand.u32 $0xFFFFFF00, v28  }
0xad: {  	v62 =	vld [tilespmem:s14+$0x0];
	v61 =	vand.u32 $0xFFFFFF00, v33;
	v28 =	vor.u32 v30, v28;
	v30 =	vand.u32 $0x7F, v32  }
0xae: {  	v34 =	vld.idx.msk [tilespmem:v31+s21+$0x0], $0xffff;
	v30 =	vor.u32 v30, v61  }
0xaf: {  	v36 =	vld [tilespmem:s9+$0x0];
	v31 =	vor.u32 $0x80, v31  }
0xb0: {  	s1 =	sand.u32 $0x1F00, s1;
	s9 =	simm.s32 $0x60;
	v37 =	vld.idx.msk [tilespmem:v29+s21+$0x0], $0xffff  }
0xb1: {  	s1 =	sadd.s32 $0xB000, s1;
	v35 =	vld [tilespmem:s9+$0x0];
	v39 =	vor.u32 $0x80, v29  }
0xb2: {  	s4 =	sor.u32 s4, s1;
	s25 =	sand.u32 $0x60, s9;
	v63 =	vshll.u32 v62, $0x1;
	v29 =	vld.idx.msk [tilespmem:v28+s21+$0x0], $0xffff  }
0xb3: {  	s31 =	sand.u32 $0xF80, s9;
	s29 =	sor.u32 $0x10, s25;
	[tilespmem:s4+$0x0] =	vst v34;
	v32 =	vld.idx.msk [tilespmem:v30+s21+$0x0], $0xffff;
	v34 =	vand.u32 $0xFFFFFF00, v63  }
0xb4: {  	s1 =	sor.u32 s5, s1;
	s5 =	simm.s32 $0x40;
	v38 =	vshll.u32 v36, $0x1;
	s14 =	sor.u32 s29, s31;
	v33 =	vand.u32 $0x7F, v62;
	v31 =	vld.idx.msk [tilespmem:v31+s21+$0x0], $0xffff  }
0xb5: {  	s16 =	sand.u32 $0x1F00, s5;
	v36 =	vand.u32 $0x7F, v36;
	v40 =	vand.u32 $0xFFFFFF00, v38;
	v38 =	vor.u32 v33, v34;
	[tilespmem:s1+$0x0] =	vst v37;
	v37 =	vld [tilespmem:s14+$0x0]  }
0xb6: {  	s15 =	simm.s32 $0x80;
	s16 =	sadd.s32 $0xB000, s16;
	v36 =	vor.u32 v36, v40;
	v33 =	vor.u32 $0x80, v30;
	s14 =	simm.s32 $0x6;
	v30 =	vld.idx.msk [tilespmem:v39+s21+$0x0], $0xffff;
	v34 =	vmov v38  }
.LBB2_15:
0xb7: {  	s9 =	sadd.s32 $0x20, s9;
	s28 =	sor.u32 s7, s16  }
0xb8: {  	v39 =	vld [tilespmem:s15+$0x0];
	v40 =	vor.u32 $0x80, v28;
	s10 =	sor.u32 s10, s16;
	v41 =	vmov v29;
	v28 =	vmov v36;
	s7 =	smov.u32 s3;
	s14 =	sadd.s32 $0x2, s14  }
0xb9: {  	v42 =	vshll.u32 v35, $0x1;
	s3 =	smov.u32 s25;
	v29 =	vld.idx.msk [tilespmem:v36+s21+$0x0], $0xffff;
	[tilespmem:s10+$0x0] =	vst v32;
	s25 =	sand.u32 $0x60, s9;
	p2 =	slt.u32 s14, $0xFE  }
.Ltmp9:
0xba: {  	v35 =	vand.u32 $0x7F, v35;
	s31 =	sand.u32 $0xF80, s9;
	v36 =	vand.u32 $0xFFFFFF00, v42;
	s16 =	sor.u32 $0x10, s25;
	v42 =	vshll.u32 v37, $0x1;
	v32 =	vld.idx.msk [tilespmem:v38+s21+$0x0], $0xffff;
	[tilespmem:s4+$0x80] =	vst v31;
	(pc) =	sbr.rel @p2 .LBB2_15-.Ltmp9, $4  }
0xbb: {  	v36 =	vor.u32 v35, v36;
	v43 =	vand.u32 $0x7F, v37;
	s4 =	smov.u32 s10;
	s31 =	sor.u32 s16, s31;
	v38 =	vand.u32 $0xFFFFFF00, v42;
	[tilespmem:s28+$0x0] =	vst v41;
	v31 =	vld.idx.msk [tilespmem:v33+s21+$0x0], $0xffff  }
0xbc: {  	s5 =	sadd.s32 $0x40, s5;
	s10 =	smov.u32 s8;
	v37 =	vld [tilespmem:s31+$0x0];
	v38 =	vor.u32 v43, v38;
	[tilespmem:s1+$0x80] =	vst v30;
	s1 =	smov.u32 s28  }
0xbd: {  	s8 =	smov.u32 s29;
	v33 =	vor.u32 $0x80, v34;
	s29 =	smov.u32 s16;
	s28 =	sand.u32 $0x1F00, s5;
	v30 =	vld.idx.msk [tilespmem:v40+s21+$0x0], $0xffff;
	v35 =	vmov v39;
	v34 =	vmov v38  }
0xbe: {  	s15 =	sadd.s32 $0x20, s15;
	s16 =	sadd.s32 $0xB000, s28  }
0xbf: {  	_ = 	snop  }
0xc0: {  	v40 =	vshll.u32 v35, $0x1  }
0xc1: {  	v57 =	vand.u32 $0x7F, v35;
	v40 =	vand.u32 $0xFFFFFF00, v40;
	v39 =	vshll.u32 v37, $0x1  }
0xc2: {  	v56 =	vand.u32 $0x7F, v37;
	v35 =	vor.u32 v57, v40;
	v39 =	vand.u32 $0xFFFFFF00, v39  }
0xc3: {  	v37 =	vor.u32 v56, v39;
	_ =	sdelay $0x1  }
0xc4: {  	v28 =	vor.u32 $0x80, v28;
	s9 =	sor.u32 s10, s16;
	v38 =	vld.idx.msk [tilespmem:v38+s21+$0x0], $0xffff  }
0xc5: {  	v58 =	vld.idx.msk [tilespmem:v36+s21+$0x0], $0xffff;
	s5 =	sadd.s32 $0x40, s5;
	v59 =	vor.u32 $0x80, v34;
	s7 =	sor.u32 s7, s16;
	[tilespmem:s9+$0x0] =	vst v32  }
0xc6: {  	v60 =	vor.u32 $0x80, v36;
	s15 =	sand.u32 $0x1F00, s5;
	[tilespmem:s7+$0x0] =	vst v29;
	v29 =	vld.idx.msk [tilespmem:v35+s21+$0x0], $0xffff  }
0xc7: {  	[tilespmem:s4+$0x80] =	vst v31;
	s5 =	sadd.s32 $0x40, s5;
	s4 =	sadd.s32 $0xB000, s15;
	v63 =	vor.u32 $0x80, v35;
	v61 =	vld.idx.msk [tilespmem:v37+s21+$0x0], $0xffff  }
0xc8: {  	v33 =	vld.idx.msk [tilespmem:v33+s21+$0x0], $0xffff;
	s5 =	sand.u32 $0x1F00, s5;
	[tilespmem:s1+$0x80] =	vst v30;
	s16 =	sor.u32 s8, s4;
	v62 =	vor.u32 $0x80, v37  }
0xc9: {  	s3 =	sor.u32 s3, s4;
	s28 =	sadd.s32 $0xB000, s5;
	v28 =	vld.idx.msk [tilespmem:v28+s21+$0x0], $0xffff;
	[tilespmem:s16+$0x0] =	vst v38  }
0xca: {  	s4 =	sor.u32 s25, s28;
	[tilespmem:s3+$0x0] =	vst v58;
	v32 =	vld.idx.msk [tilespmem:v59+s21+$0x0], $0xffff  }
0xcb: {  	s5 =	sor.u32 s29, s28;
	v31 =	vld.idx.msk [tilespmem:v60+s21+$0x0], $0xffff;
	[tilespmem:s4+$0x0] =	vst v29  }
0xcc: {  	v30 =	vld.idx.msk [tilespmem:v63+s21+$0x0], $0xffff;
	[tilespmem:s5+$0x0] =	vst v61  }
0xcd: {  	[tilespmem:s9+$0x80] =	vst v33;
	v29 =	vld.idx.msk [tilespmem:v62+s21+$0x0], $0xffff  }
0xce: {  	[tilespmem:s7+$0x80] =	vst v28  }
0xcf: {  	[tilespmem:s16+$0x80] =	vst v32  }
0xd0: {  	[tilespmem:s3+$0x80] =	vst v31  }
.Ltmp10:
0xd1: {  	[tilespmem:s4+$0x80] =	vst v30;
	(pc) =	sbr.rel @p1 .LBB2_18-.Ltmp10, $4  }
0xd2: {  	[tilespmem:s5+$0x80] =	vst v29  }
0xd3: {  	s1 =	rddreg [dreg:$0xb]  }
0xd4: {  	s31 =	simm.s32 $0xB000;
	s1 =	sadd.s32 s2, s1  }
0xd5: {  	[hbm4b:s1+s18] =	stream.strided.scatter [tilespmem:s31], [sflag:$0x6], $0x2000, s19, s18, $0x38;
	[tilespmem:$0x11000] =	vst v63  }
.Ltmp11:
0xd6: {  	(pc) =	sbr.rel .LBB2_19-.Ltmp11, $4  }
0xd7: {  	_ = 	snop  }
0xd8: {  	_ =	swait.ge [sflag:s30], $0x2000  }
0xd9: {  	[sflag:s30] =	ssyncset.done $0x0  }
0xda: {  	[sflag:s30] =	ssyncadd.s32 $0xFFFFE000  }
.LBB2_18:
0xdb: {  	s1 =	sadd.s32 s12, s13  }
0xdc: {  	s3 =	rddreg [dreg:$0x5];
	s1 =	sshrl.u32 s1, $0x3  }
.Ltmp12:
0xdd: {  	s1 =	sadd.s32 s1, s3;
	(pc) =	sbr.rel @p0 .LBB2_20-.Ltmp12, $4  }
0xde: {  	[tilespmem:s21], [sflag:$0x2] =	stream.strided.gather [hbm4b:s1+s18], $0x2000, s19, s18, $0x38;
	[tilespmem:$0x11000] =	vst v63  }
0xdf: {  	_ =	swait.ge [sflag:s30], $0x2000  }
0xe0: {  	[sflag:s30] =	ssyncset.done $0x0  }
0xe1: {  	[sflag:s30] =	ssyncadd.s32 $0xFFFFE000  }
.LBB2_19:
0xe2: {  	s1 =	simm.s32 $0x7  }
0xe3: {  	_ =	swait.ge [sflag:s1], $0x2000  }
0xe4: {  	[sflag:s1] =	ssyncset.done $0x0  }
0xe5: {  	[sflag:s1] =	ssyncadd.s32 $0xFFFFE000  }
.LBB2_20:
0xe6: {  	s1 =	simm.s32 $0x0  }
0xe7: {  	s5 =	sand.u32 $0x60, s1  }
0xe8: {  	s3 =	sand.u32 $0xF80, s1;
	s4 =	sor.u32 $0x10, s5  }
0xe9: {  	s3 =	sor.u32 s4, s3  }
0xea: {  	v28 =	vld [tilespmem:s3+$0x0]  }
0xeb: {  	s25 =	simm.s32 $0x20  }
0xec: {  	v29 =	vld [tilespmem:s1+$0x0];
	s7 =	sand.u32 $0x60, s25  }
0xed: {  	s8 =	sand.u32 $0xF80, s25;
	s10 =	sor.u32 $0x10, s7  }
0xee: {  	v30 =	vld [tilespmem:s25+$0x0];
	s28 =	sor.u32 s10, s8  }
0xef: {  	v32 =	vld [tilespmem:s28+$0x0];
	v31 =	vshll.u32 v28, $0x1  }
0xf0: {  	v28 =	vand.u32 $0x7F, v28;
	v31 =	vand.u32 $0xFFFFFF00, v31  }
0xf1: {  	s9 =	simm.s32 $0x40;
	v31 =	vor.u32 v28, v31;
	v28 =	vshll.u32 v29, $0x1  }
0xf2: {  	s3 =	sand.u32 $0x60, s9;
	v29 =	vand.u32 $0x7F, v29;
	v28 =	vand.u32 $0xFFFFFF00, v28  }
0xf3: {  	s14 =	sand.u32 $0xF80, s9;
	s8 =	sor.u32 $0x10, s3;
	v29 =	vor.u32 v29, v28;
	v28 =	vshll.u32 v30, $0x1  }
0xf4: {  	s14 =	sor.u32 s8, s14;
	v33 =	vshll.u32 v32, $0x1;
	v30 =	vand.u32 $0x7F, v30;
	v28 =	vand.u32 $0xFFFFFF00, v28  }
0xf5: {  	v62 =	vld [tilespmem:s14+$0x0];
	v61 =	vand.u32 $0xFFFFFF00, v33;
	v28 =	vor.u32 v30, v28;
	v30 =	vand.u32 $0x7F, v32  }
0xf6: {  	v34 =	vld.idx.msk [tilespmem:v31+s22+$0x0], $0xffff;
	v30 =	vor.u32 v30, v61  }
0xf7: {  	v36 =	vld [tilespmem:s9+$0x0];
	v31 =	vor.u32 $0x80, v31  }
0xf8: {  	s1 =	sand.u32 $0x1F00, s1;
	s9 =	simm.s32 $0x60;
	v37 =	vld.idx.msk [tilespmem:v29+s22+$0x0], $0xffff  }
0xf9: {  	s1 =	sadd.s32 $0xD000, s1;
	v35 =	vld [tilespmem:s9+$0x0];
	v39 =	vor.u32 $0x80, v29  }
0xfa: {  	s4 =	sor.u32 s4, s1;
	s25 =	sand.u32 $0x60, s9;
	v63 =	vshll.u32 v62, $0x1;
	v29 =	vld.idx.msk [tilespmem:v28+s22+$0x0], $0xffff  }
0xfb: {  	s31 =	sand.u32 $0xF80, s9;
	s29 =	sor.u32 $0x10, s25;
	[tilespmem:s4+$0x0] =	vst v34;
	v32 =	vld.idx.msk [tilespmem:v30+s22+$0x0], $0xffff;
	v34 =	vand.u32 $0xFFFFFF00, v63  }
0xfc: {  	s1 =	sor.u32 s5, s1;
	s5 =	simm.s32 $0x40;
	v38 =	vshll.u32 v36, $0x1;
	s14 =	sor.u32 s29, s31;
	v33 =	vand.u32 $0x7F, v62;
	v31 =	vld.idx.msk [tilespmem:v31+s22+$0x0], $0xffff  }
0xfd: {  	s16 =	sand.u32 $0x1F00, s5;
	v36 =	vand.u32 $0x7F, v36;
	v40 =	vand.u32 $0xFFFFFF00, v38;
	v38 =	vor.u32 v33, v34;
	[tilespmem:s1+$0x0] =	vst v37;
	v37 =	vld [tilespmem:s14+$0x0]  }
0xfe: {  	s15 =	simm.s32 $0x80;
	s16 =	sadd.s32 $0xD000, s16;
	v36 =	vor.u32 v36, v40;
	v33 =	vor.u32 $0x80, v30;
	s14 =	simm.s32 $0x6;
	v30 =	vld.idx.msk [tilespmem:v39+s22+$0x0], $0xffff;
	v34 =	vmov v38  }
.LBB2_21:
0xff: {  	s9 =	sadd.s32 $0x20, s9;
	s28 =	sor.u32 s7, s16  }
0x100: {  	v39 =	vld [tilespmem:s15+$0x0];
	v40 =	vor.u32 $0x80, v28;
	s10 =	sor.u32 s10, s16;
	v41 =	vmov v29;
	v28 =	vmov v36;
	s7 =	smov.u32 s3;
	s14 =	sadd.s32 $0x2, s14  }
0x101: {  	v42 =	vshll.u32 v35, $0x1;
	s3 =	smov.u32 s25;
	v29 =	vld.idx.msk [tilespmem:v36+s22+$0x0], $0xffff;
	[tilespmem:s10+$0x0] =	vst v32;
	s25 =	sand.u32 $0x60, s9;
	p2 =	slt.u32 s14, $0xFE  }
.Ltmp13:
0x102: {  	v35 =	vand.u32 $0x7F, v35;
	s31 =	sand.u32 $0xF80, s9;
	v36 =	vand.u32 $0xFFFFFF00, v42;
	s16 =	sor.u32 $0x10, s25;
	v42 =	vshll.u32 v37, $0x1;
	v32 =	vld.idx.msk [tilespmem:v38+s22+$0x0], $0xffff;
	[tilespmem:s4+$0x80] =	vst v31;
	(pc) =	sbr.rel @p2 .LBB2_21-.Ltmp13, $4  }
0x103: {  	v36 =	vor.u32 v35, v36;
	v43 =	vand.u32 $0x7F, v37;
	s4 =	smov.u32 s10;
	s31 =	sor.u32 s16, s31;
	v38 =	vand.u32 $0xFFFFFF00, v42;
	[tilespmem:s28+$0x0] =	vst v41;
	v31 =	vld.idx.msk [tilespmem:v33+s22+$0x0], $0xffff  }
0x104: {  	s5 =	sadd.s32 $0x40, s5;
	s10 =	smov.u32 s8;
	v37 =	vld [tilespmem:s31+$0x0];
	v38 =	vor.u32 v43, v38;
	[tilespmem:s1+$0x80] =	vst v30;
	s1 =	smov.u32 s28  }
0x105: {  	s8 =	smov.u32 s29;
	v33 =	vor.u32 $0x80, v34;
	s29 =	smov.u32 s16;
	s28 =	sand.u32 $0x1F00, s5;
	v30 =	vld.idx.msk [tilespmem:v40+s22+$0x0], $0xffff;
	v35 =	vmov v39;
	v34 =	vmov v38  }
0x106: {  	s15 =	sadd.s32 $0x20, s15;
	s16 =	sadd.s32 $0xD000, s28  }
0x107: {  	_ = 	snop  }
0x108: {  	v40 =	vshll.u32 v35, $0x1  }
0x109: {  	v57 =	vand.u32 $0x7F, v35;
	v40 =	vand.u32 $0xFFFFFF00, v40;
	v39 =	vshll.u32 v37, $0x1  }
0x10a: {  	v56 =	vand.u32 $0x7F, v37;
	v35 =	vor.u32 v57, v40;
	v39 =	vand.u32 $0xFFFFFF00, v39  }
0x10b: {  	v37 =	vor.u32 v56, v39;
	_ =	sdelay $0x1  }
0x10c: {  	v28 =	vor.u32 $0x80, v28;
	s9 =	sor.u32 s10, s16;
	v38 =	vld.idx.msk [tilespmem:v38+s22+$0x0], $0xffff  }
0x10d: {  	v58 =	vld.idx.msk [tilespmem:v36+s22+$0x0], $0xffff;
	s5 =	sadd.s32 $0x40, s5;
	v59 =	vor.u32 $0x80, v34;
	s7 =	sor.u32 s7, s16;
	[tilespmem:s9+$0x0] =	vst v32  }
0x10e: {  	v60 =	vor.u32 $0x80, v36;
	s15 =	sand.u32 $0x1F00, s5;
	[tilespmem:s7+$0x0] =	vst v29;
	v29 =	vld.idx.msk [tilespmem:v35+s22+$0x0], $0xffff  }
0x10f: {  	[tilespmem:s4+$0x80] =	vst v31;
	s5 =	sadd.s32 $0x40, s5;
	s4 =	sadd.s32 $0xD000, s15;
	v63 =	vor.u32 $0x80, v35;
	v61 =	vld.idx.msk [tilespmem:v37+s22+$0x0], $0xffff  }
0x110: {  	v33 =	vld.idx.msk [tilespmem:v33+s22+$0x0], $0xffff;
	s5 =	sand.u32 $0x1F00, s5;
	[tilespmem:s1+$0x80] =	vst v30;
	s16 =	sor.u32 s8, s4;
	v62 =	vor.u32 $0x80, v37  }
0x111: {  	s3 =	sor.u32 s3, s4;
	s28 =	sadd.s32 $0xD000, s5;
	v28 =	vld.idx.msk [tilespmem:v28+s22+$0x0], $0xffff;
	[tilespmem:s16+$0x0] =	vst v38  }
0x112: {  	s4 =	sor.u32 s25, s28;
	[tilespmem:s3+$0x0] =	vst v58;
	v32 =	vld.idx.msk [tilespmem:v59+s22+$0x0], $0xffff  }
0x113: {  	s5 =	sor.u32 s29, s28;
	v31 =	vld.idx.msk [tilespmem:v60+s22+$0x0], $0xffff;
	[tilespmem:s4+$0x0] =	vst v29  }
0x114: {  	v30 =	vld.idx.msk [tilespmem:v63+s22+$0x0], $0xffff;
	[tilespmem:s5+$0x0] =	vst v61  }
0x115: {  	[tilespmem:s9+$0x80] =	vst v33;
	v29 =	vld.idx.msk [tilespmem:v62+s22+$0x0], $0xffff  }
0x116: {  	[tilespmem:s7+$0x80] =	vst v28  }
0x117: {  	[tilespmem:s16+$0x80] =	vst v32  }
0x118: {  	[tilespmem:s3+$0x80] =	vst v31  }
.Ltmp14:
0x119: {  	[tilespmem:s4+$0x80] =	vst v30;
	(pc) =	sbr.rel @p1 .LBB2_24-.Ltmp14, $4  }
0x11a: {  	[tilespmem:s5+$0x80] =	vst v29  }
0x11b: {  	s1 =	rddreg [dreg:$0xc]  }
0x11c: {  	s31 =	simm.s32 $0xD000;
	s1 =	sadd.s32 s2, s1  }
0x11d: {  	[hbm4b:s1+s18] =	stream.strided.scatter [tilespmem:s31], [sflag:$0x7], $0x2000, s19, s18, $0x38;
	[tilespmem:$0x11000] =	vst v63  }
.Ltmp15:
0x11e: {  	(pc) =	sbr.rel .LBB2_25-.Ltmp15, $4  }
0x11f: {  	_ = 	snop  }
0x120: {  	_ =	swait.ge [sflag:s0], $0x2000  }
0x121: {  	[sflag:s0] =	ssyncset.done $0x0  }
0x122: {  	[sflag:s0] =	ssyncadd.s32 $0xFFFFE000  }
.LBB2_24:
0x123: {  	s1 =	sadd.s32 s12, s13  }
0x124: {  	s3 =	rddreg [dreg:$0x6];
	s1 =	sshrl.u32 s1, $0x3  }
.Ltmp16:
0x125: {  	s1 =	sadd.s32 s1, s3;
	(pc) =	sbr.rel @p0 .LBB2_26-.Ltmp16, $4  }
0x126: {  	[tilespmem:s22], [sflag:$0x3] =	stream.strided.gather [hbm4b:s1+s18], $0x2000, s19, s18, $0x38;
	[tilespmem:$0x11000] =	vst v63  }
0x127: {  	_ =	swait.ge [sflag:s0], $0x2000  }
0x128: {  	[sflag:s0] =	ssyncset.done $0x0  }
0x129: {  	[sflag:s0] =	ssyncadd.s32 $0xFFFFE000  }
.LBB2_25:
0x12a: {  	_ =	swait.ge [sflag:s6], $0x2000  }
0x12b: {  	[sflag:s6] =	ssyncset.done $0x0  }
0x12c: {  	[sflag:s6] =	ssyncadd.s32 $0xFFFFE000  }
.LBB2_26:
0x12d: {  	s1 =	simm.s32 $0x0  }
0x12e: {  	s5 =	sand.u32 $0x60, s1  }
0x12f: {  	s3 =	sand.u32 $0xF80, s1;
	s4 =	sor.u32 $0x10, s5  }
0x130: {  	s3 =	sor.u32 s4, s3  }
0x131: {  	v28 =	vld [tilespmem:s3+$0x0]  }
0x132: {  	s25 =	simm.s32 $0x20  }
0x133: {  	v29 =	vld [tilespmem:s1+$0x0];
	s7 =	sand.u32 $0x60, s25  }
0x134: {  	s8 =	sand.u32 $0xF80, s25;
	s10 =	sor.u32 $0x10, s7  }
0x135: {  	v30 =	vld [tilespmem:s25+$0x0];
	s28 =	sor.u32 s10, s8  }
0x136: {  	v32 =	vld [tilespmem:s28+$0x0];
	v31 =	vshll.u32 v28, $0x1  }
0x137: {  	v28 =	vand.u32 $0x7F, v28;
	v31 =	vand.u32 $0xFFFFFF00, v31  }
0x138: {  	s9 =	simm.s32 $0x40;
	v31 =	vor.u32 v28, v31;
	v28 =	vshll.u32 v29, $0x1  }
0x139: {  	s3 =	sand.u32 $0x60, s9;
	v29 =	vand.u32 $0x7F, v29;
	v28 =	vand.u32 $0xFFFFFF00, v28  }
0x13a: {  	s14 =	sand.u32 $0xF80, s9;
	s8 =	sor.u32 $0x10, s3;
	v29 =	vor.u32 v29, v28;
	v28 =	vshll.u32 v30, $0x1  }
0x13b: {  	s14 =	sor.u32 s8, s14;
	v33 =	vshll.u32 v32, $0x1;
	v30 =	vand.u32 $0x7F, v30;
	v28 =	vand.u32 $0xFFFFFF00, v28  }
0x13c: {  	v62 =	vld [tilespmem:s14+$0x0];
	v61 =	vand.u32 $0xFFFFFF00, v33;
	v28 =	vor.u32 v30, v28;
	v30 =	vand.u32 $0x7F, v32  }
0x13d: {  	v34 =	vld.idx.msk [tilespmem:v31+s23+$0x0], $0xffff;
	v30 =	vor.u32 v30, v61  }
0x13e: {  	v36 =	vld [tilespmem:s9+$0x0];
	v31 =	vor.u32 $0x80, v31  }
0x13f: {  	s1 =	sand.u32 $0x1F00, s1;
	s9 =	simm.s32 $0x60;
	v37 =	vld.idx.msk [tilespmem:v29+s23+$0x0], $0xffff  }
0x140: {  	s1 =	sadd.s32 $0xF000, s1;
	v35 =	vld [tilespmem:s9+$0x0];
	v39 =	vor.u32 $0x80, v29  }
0x141: {  	s4 =	sor.u32 s4, s1;
	s25 =	sand.u32 $0x60, s9;
	v63 =	vshll.u32 v62, $0x1;
	v29 =	vld.idx.msk [tilespmem:v28+s23+$0x0], $0xffff  }
0x142: {  	s31 =	sand.u32 $0xF80, s9;
	s29 =	sor.u32 $0x10, s25;
	[tilespmem:s4+$0x0] =	vst v34;
	v32 =	vld.idx.msk [tilespmem:v30+s23+$0x0], $0xffff;
	v34 =	vand.u32 $0xFFFFFF00, v63  }
0x143: {  	s1 =	sor.u32 s5, s1;
	s5 =	simm.s32 $0x40;
	v38 =	vshll.u32 v36, $0x1;
	s14 =	sor.u32 s29, s31;
	v33 =	vand.u32 $0x7F, v62;
	v31 =	vld.idx.msk [tilespmem:v31+s23+$0x0], $0xffff  }
0x144: {  	s16 =	sand.u32 $0x1F00, s5;
	v36 =	vand.u32 $0x7F, v36;
	v40 =	vand.u32 $0xFFFFFF00, v38;
	v38 =	vor.u32 v33, v34;
	[tilespmem:s1+$0x0] =	vst v37;
	v37 =	vld [tilespmem:s14+$0x0]  }
0x145: {  	s15 =	simm.s32 $0x80;
	s16 =	sadd.s32 $0xF000, s16;
	v36 =	vor.u32 v36, v40;
	v33 =	vor.u32 $0x80, v30;
	s14 =	simm.s32 $0x6;
	v30 =	vld.idx.msk [tilespmem:v39+s23+$0x0], $0xffff;
	v34 =	vmov v38  }
.LBB2_27:
0x146: {  	s9 =	sadd.s32 $0x20, s9;
	s28 =	sor.u32 s7, s16  }
0x147: {  	v39 =	vld [tilespmem:s15+$0x0];
	v40 =	vor.u32 $0x80, v28;
	s10 =	sor.u32 s10, s16;
	v41 =	vmov v29;
	v28 =	vmov v36;
	s7 =	smov.u32 s3;
	s14 =	sadd.s32 $0x2, s14  }
0x148: {  	v42 =	vshll.u32 v35, $0x1;
	s3 =	smov.u32 s25;
	v29 =	vld.idx.msk [tilespmem:v36+s23+$0x0], $0xffff;
	[tilespmem:s10+$0x0] =	vst v32;
	s25 =	sand.u32 $0x60, s9;
	p0 =	slt.u32 s14, $0xFE  }
.Ltmp17:
0x149: {  	v35 =	vand.u32 $0x7F, v35;
	s31 =	sand.u32 $0xF80, s9;
	v36 =	vand.u32 $0xFFFFFF00, v42;
	s16 =	sor.u32 $0x10, s25;
	v42 =	vshll.u32 v37, $0x1;
	v32 =	vld.idx.msk [tilespmem:v38+s23+$0x0], $0xffff;
	[tilespmem:s4+$0x80] =	vst v31;
	(pc) =	sbr.rel @p0 .LBB2_27-.Ltmp17, $4  }
0x14a: {  	v36 =	vor.u32 v35, v36;
	v43 =	vand.u32 $0x7F, v37;
	s4 =	smov.u32 s10;
	s31 =	sor.u32 s16, s31;
	v38 =	vand.u32 $0xFFFFFF00, v42;
	[tilespmem:s28+$0x0] =	vst v41;
	v31 =	vld.idx.msk [tilespmem:v33+s23+$0x0], $0xffff  }
0x14b: {  	s5 =	sadd.s32 $0x40, s5;
	s10 =	smov.u32 s8;
	v37 =	vld [tilespmem:s31+$0x0];
	v38 =	vor.u32 v43, v38;
	[tilespmem:s1+$0x80] =	vst v30;
	s1 =	smov.u32 s28  }
0x14c: {  	s8 =	smov.u32 s29;
	v33 =	vor.u32 $0x80, v34;
	s29 =	smov.u32 s16;
	s28 =	sand.u32 $0x1F00, s5;
	v30 =	vld.idx.msk [tilespmem:v40+s23+$0x0], $0xffff;
	v35 =	vmov v39;
	v34 =	vmov v38  }
0x14d: {  	s15 =	sadd.s32 $0x20, s15;
	s16 =	sadd.s32 $0xF000, s28  }
0x14e: {  	_ = 	snop  }
0x14f: {  	v40 =	vshll.u32 v35, $0x1  }
0x150: {  	v57 =	vand.u32 $0x7F, v35;
	v40 =	vand.u32 $0xFFFFFF00, v40;
	v39 =	vshll.u32 v37, $0x1  }
0x151: {  	v56 =	vand.u32 $0x7F, v37;
	v35 =	vor.u32 v57, v40;
	v39 =	vand.u32 $0xFFFFFF00, v39  }
0x152: {  	v37 =	vor.u32 v56, v39;
	_ =	sdelay $0x1  }
0x153: {  	v28 =	vor.u32 $0x80, v28;
	s9 =	sor.u32 s10, s16;
	v38 =	vld.idx.msk [tilespmem:v38+s23+$0x0], $0xffff  }
0x154: {  	v58 =	vld.idx.msk [tilespmem:v36+s23+$0x0], $0xffff;
	s5 =	sadd.s32 $0x40, s5;
	v59 =	vor.u32 $0x80, v34;
	s7 =	sor.u32 s7, s16;
	[tilespmem:s9+$0x0] =	vst v32  }
0x155: {  	v60 =	vor.u32 $0x80, v36;
	s15 =	sand.u32 $0x1F00, s5;
	[tilespmem:s7+$0x0] =	vst v29;
	v29 =	vld.idx.msk [tilespmem:v35+s23+$0x0], $0xffff  }
0x156: {  	[tilespmem:s4+$0x80] =	vst v31;
	s5 =	sadd.s32 $0x40, s5;
	s4 =	sadd.s32 $0xF000, s15;
	v63 =	vor.u32 $0x80, v35;
	v61 =	vld.idx.msk [tilespmem:v37+s23+$0x0], $0xffff  }
0x157: {  	v33 =	vld.idx.msk [tilespmem:v33+s23+$0x0], $0xffff;
	s5 =	sand.u32 $0x1F00, s5;
	[tilespmem:s1+$0x80] =	vst v30;
	s16 =	sor.u32 s8, s4;
	v62 =	vor.u32 $0x80, v37  }
0x158: {  	s3 =	sor.u32 s3, s4;
	s28 =	sadd.s32 $0xF000, s5;
	v28 =	vld.idx.msk [tilespmem:v28+s23+$0x0], $0xffff;
	[tilespmem:s16+$0x0] =	vst v38  }
0x159: {  	s4 =	sor.u32 s25, s28;
	[tilespmem:s3+$0x0] =	vst v58;
	v32 =	vld.idx.msk [tilespmem:v59+s23+$0x0], $0xffff  }
0x15a: {  	s5 =	sor.u32 s29, s28;
	v31 =	vld.idx.msk [tilespmem:v60+s23+$0x0], $0xffff;
	[tilespmem:s4+$0x0] =	vst v29  }
0x15b: {  	v30 =	vld.idx.msk [tilespmem:v63+s23+$0x0], $0xffff;
	[tilespmem:s5+$0x0] =	vst v61  }
0x15c: {  	[tilespmem:s9+$0x80] =	vst v33;
	v29 =	vld.idx.msk [tilespmem:v62+s23+$0x0], $0xffff  }
0x15d: {  	[tilespmem:s7+$0x80] =	vst v28  }
0x15e: {  	[tilespmem:s16+$0x80] =	vst v32  }
0x15f: {  	p0 =	seq.s32 s11, $0xF;
	[tilespmem:s3+$0x80] =	vst v31  }
.Ltmp18:
0x160: {  	[tilespmem:s4+$0x80] =	vst v30;
	(pc) =	sbr.rel @p0 .LBB2_30-.Ltmp18, $4  }
0x161: {  	[tilespmem:s5+$0x80] =	vst v29  }
0x162: {  	s1 =	rddreg [dreg:$0xd]  }
0x163: {  	s31 =	simm.s32 $0xF000;
	s1 =	sadd.s32 s2, s1  }
0x164: {  	[hbm4b:s1+s18] =	stream.strided.scatter [tilespmem:s31], [sflag:$0x8], $0x2000, s19, s18, $0x38;
	[tilespmem:$0x11000] =	vst v63  }
.Ltmp19:
0x165: {  	(pc) =	sbr.rel .LBB2_8-.Ltmp19, $4  }
0x166: {  	s1 =	sadd.s32 s12, s13  }
0x167: {  	s2 =	rddreg [dreg:$0x7];
	s1 =	sshrl.u32 s1, $0x3  }
0x168: {  	s11 =	sadd.s32 $0x1, s11;
	s1 =	sadd.s32 s1, s2  }
0x169: {  	[tilespmem:s23], [sflag:$0x4] =	stream.strided.gather [hbm4b:s1+s18], $0x2000, s19, s18, $0x38;
	[tilespmem:$0x11000] =	vst v63  }
.LBB2_31:
0x16a: {  	_ =	sfence.sel $0x180000  }
0x16b: {  	[bflag:$0x0] =	sbarrier.arrive $0xFFFF  }
0x16c: {  	_ =	strace $0x90000047  }
0x16d: {  	s0 =	stileid.u32;
	[bflag:$0x2] =	sbarrier.arrive $0xFFFF  }
0x16e: {  	p0 =	sne.s32 s0, $0x0;
	s0 =	rddreg [dreg:$0x2]  }
0x16f: {  	s0 =	sadd.s32 @!p0 $0x100000, s0  }
0x170: {  	[sflag:s0] =	ssyncadd.tile.s32 @!p0 $0x1;
	_ =	shalt  }
.Lfunc_end2:
_tile_overlayer_lowered:
.L_overlay_start_2:
0x171: {  	(tag) =	ssettag $0x2  }
0x172: {  	s0 =	rddreg [dreg:$0x0];
	s2 =	stileid.u32  }
0x173: {  	s1 =	rddreg [dreg:$0x1];
	p0 =	sne.s32 s2, $0x0  }
0x174: {  	s3 =	rddreg [dreg:$0x2];
	[bflag:$0x3] =	sbarrier.arrive $0xFFFF;
	s2 =	simm.s32 @!p0 $0x1C09  }
0x175: {  	[timem:s3], [sflag:s2] =	dma.local @!p0 [hbm:s0], s1  }
0x176: {  	s0 =	simm.s32 @!p0 $0x9  }
0x177: {  	_ =	swait.ge @!p0 [sflag:s0], s1  }
0x178: {  	s1 =	ssub.s32 @!p0 $0x0, s1;
	[sflag:s0] =	ssyncset.done @!p0 $0x0  }
0x179: {  	[sflag:s0] =	ssyncadd.s32 @!p0 s1  }
0x17a: {  	[bflag:$0x3] =	sbarrier.arrive $0xFFFF  }
0x17b: {  	_ =	shalt  }

</sc_bundles>
